<compile_context>
chip_gen: v7x
topology: tpu7x:2x2x1
jax: 0.10.2.dev20260603
libtpu: 0.0.44.dev20260713+nightly
codegen_flags: <defaults>
</compile_context>

<pallas_src>
import jax
import jax.numpy as jnp
from jax import lax
from jax.experimental import pallas as pl
from jax.experimental.pallas import tpu as pltpu
from jax.experimental.pallas import tpu_sc as plsc

_MAX_CTX = 32768
_DIM = 1024
_B, _L = 4, 8192
_NUM_CORES = 2
_NUM_SUBCORES = 16
_NUM_WORKERS = _NUM_CORES * _NUM_SUBCORES

_SPLIT = 24576
_SC_ROWS_PER_WORKER = (_MAX_CTX - _SPLIT) // _NUM_WORKERS
_CH = 32
_NCH = _SC_ROWS_PER_WORKER // _CH

_TC_BLK = 1024


def _sc_body(src_hbm, out1_hbm, out2_hbm, buf0, buf1,
             gs0, gs1, s1a, s1b, s2a, s2b):
    wid = lax.axis_index("s") * _NUM_CORES + lax.axis_index("c")
    base = _SPLIT + wid * _SC_ROWS_PER_WORKER
    bidx = base // _L
    loff = base % _L
    bufs = (buf0, buf1)
    gsems = (gs0, gs1)
    s1 = (s1a, s1b)
    s2 = (s2a, s2b)
    for i in range(_NCH):
        k = i % 2
        buf = bufs[k]
        if i >= 2:
            prev = (i - 2) * _CH
            pltpu.make_async_copy(
                buf, out1_hbm.at[bidx, pl.ds(loff + prev, _CH)], s1[k]
            ).wait()
            pltpu.make_async_copy(
                buf, out2_hbm.at[pl.ds(base + prev, _CH)], s2[k]
            ).wait()
        cur = i * _CH
        cp = pltpu.make_async_copy(
            src_hbm.at[pl.ds(base + cur, _CH)], buf, gsems[k]
        )
        cp.start()
        cp.wait()
        pltpu.make_async_copy(
            buf, out1_hbm.at[bidx, pl.ds(loff + cur, _CH)], s1[k]
        ).start()
        pltpu.make_async_copy(
            buf, out2_hbm.at[pl.ds(base + cur, _CH)], s2[k]
        ).start()
    for i in (_NCH - 2, _NCH - 1):
        k = i % 2
        cur = i * _CH
        pltpu.make_async_copy(
            bufs[k], out1_hbm.at[bidx, pl.ds(loff + cur, _CH)], s1[k]
        ).wait()
        pltpu.make_async_copy(
            bufs[k], out2_hbm.at[pl.ds(base + cur, _CH)], s2[k]
        ).wait()


def _tc_body(h_ref, p1_ref, p2_ref, out1_ref, out2_ref):
    del p1_ref, p2_ref
    blk = h_ref[...]
    out1_ref[...] = blk
    out2_ref[...] = blk.reshape(_TC_BLK, _DIM)


def kernel(h, mem):
    b, l, d = h.shape
    flat = h.reshape(b * l, d)

    p1, p2 = pl.kernel(
        _sc_body,
        out_type=(
            jax.ShapeDtypeStruct((b, l, d), h.dtype),
            jax.ShapeDtypeStruct((b * l, d), h.dtype),
        ),
        mesh=plsc.VectorSubcoreMesh(
            core_axis_name="c", subcore_axis_name="s"
        ),
        scratch_types=[
            pltpu.VMEM((_CH, _DIM), jnp.float32),
            pltpu.VMEM((_CH, _DIM), jnp.float32),
            pltpu.SemaphoreType.DMA,
            pltpu.SemaphoreType.DMA,
            pltpu.SemaphoreType.DMA,
            pltpu.SemaphoreType.DMA,
            pltpu.SemaphoreType.DMA,
            pltpu.SemaphoreType.DMA,
        ],
    )(flat)

    n_batches = _SPLIT // l
    out1, out2 = pl.pallas_call(
        _tc_body,
        grid=(n_batches, l // _TC_BLK),
        in_specs=[
            pl.BlockSpec((1, _TC_BLK, d), lambda i, j: (i, j, 0)),
            pl.BlockSpec(memory_space=pl.ANY),
            pl.BlockSpec(memory_space=pl.ANY),
        ],
        out_specs=[
            pl.BlockSpec((1, _TC_BLK, d), lambda i, j: (i, j, 0)),
            pl.BlockSpec((_TC_BLK, d), lambda i, j: (i * (_L // _TC_BLK) + j, 0)),
        ],
        out_shape=[
            jax.ShapeDtypeStruct((b, l, d), h.dtype),
            jax.ShapeDtypeStruct((b * l, d), h.dtype),
        ],
        input_output_aliases={1: 0, 2: 1},
    )(h, p1, p2)
    return (out1, out2)

# --- scband reference (transcript-rebuilt; emitter-appended) ---
"""Pipeline reference for scband-replay-memory-stack-30709016167042 (READ-ONLY COPY).

The authoritative reference and input builder live on the scoring server;
editing this copy changes nothing except your own understanding.
"""

import jax, jax.numpy as jnp
import numpy as np

MAX_CTX = 32768
DIM = 1024
B, L = 4, 8192

def setup_inputs(seed: int = 0) -> dict:
    key = jax.random.key(seed)
    k1, k2 = jax.random.split(key)
    h = jax.random.normal(k1, (B, L, DIM), dtype=jnp.float32)
    # steady-state prior memory contents (torch buffer after earlier calls);
    # half-full so the concat + tail-slice eviction path is exercised
    mem = jax.random.normal(k2, (MAX_CTX // 2, DIM), dtype=jnp.float32)
    return {"h": h, "mem": mem}

def reference(h, mem):
    b, l, d = h.shape
    flat = h.reshape(b * l, d)
    combined = jnp.concatenate([mem, flat], axis=0)
    new_mem = combined[-MAX_CTX:]
    # torch forward returns h and updates self.mem as a side effect;
    # functional JAX translation returns both (output, new_state)
    return (h, new_mem)

if __name__ == "__main__":
    import jax
    _d = setup_inputs()
    print(jax.jit(kernel)(*tuple(_d.values())))

</pallas_src>

<mosaic_0001>
#map = affine_map<(d0, d1) -> (0, 0)>
#map1 = affine_map<(d0, d1) -> (0, 0, 0)>
module attributes {stable_mosaic.version = 14 : i64} {
  func.func @_sc_body(%arg0: i32, %arg1: i32, %arg2: memref<32768x1024xf32, #tpu.memory_space<hbm>>, %arg3: memref<4x8192x1024xf32, #tpu.memory_space<hbm>>, %arg4: memref<32768x1024xf32, #tpu.memory_space<hbm>>, %arg5: memref<32x1024xf32, #tpu.memory_space<vmem>>, %arg6: memref<32x1024xf32, #tpu.memory_space<vmem>>, %arg7: memref<!tpu.dma_semaphore, #tpu.memory_space<semaphore_mem>>, %arg8: memref<!tpu.dma_semaphore, #tpu.memory_space<semaphore_mem>>, %arg9: memref<!tpu.dma_semaphore, #tpu.memory_space<semaphore_mem>>, %arg10: memref<!tpu.dma_semaphore, #tpu.memory_space<semaphore_mem>>, %arg11: memref<!tpu.dma_semaphore, #tpu.memory_space<semaphore_mem>>, %arg12: memref<!tpu.dma_semaphore, #tpu.memory_space<semaphore_mem>>) attributes {dimension_semantics = [#tpu.dimension_semantics<core_parallel>, #tpu.dimension_semantics<subcore_parallel>], iteration_bounds = array<i64: 2, 16>, scalar_prefetch = 0 : i64, scratch_operands = 8 : i64, tpu.core_type = #tpu.core_type<sc_vector_subcore>, window_params = [{transform_indices = #map}, {transform_indices = #map1}, {transform_indices = #map}]} {
    %mul3A = arith.constant 2 : i32
    %mul3A_0 = arith.muli %arg1, %mul3A : i32
    %add3A = arith.addi %mul3A_0, %arg0 : i32
    %mul3A_1 = arith.constant 256 : i32
    %mul3A_2 = arith.muli %add3A, %mul3A_1 : i32
    %add3A_3 = arith.constant 24576 : i32
    %add3A_4 = arith.addi %add3A_3, %mul3A_2 : i32
    %jit3A = arith.constant 8192 : i32
    %div3A = arith.divsi %add3A_4, %jit3A : i32
    %sign3A = arith.constant 0 : i32
    %sign3A_5 = arith.cmpi sgt, %add3A_4, %sign3A : i32
    %sign3A_6 = arith.extui %sign3A_5 : i1 to i32
    %sign3A_7 = arith.constant 0 : i32
    %sign3A_8 = arith.cmpi slt, %add3A_4, %sign3A_7 : i32
    %sign3A_9 = arith.extui %sign3A_8 : i1 to i32
    %sign3A_10 = arith.subi %sign3A_6, %sign3A_9 : i32
    %sign3A_11 = arith.constant 0 : i32
    %sign3A_12 = arith.cmpi sgt, %jit3A, %sign3A_11 : i32
    %sign3A_13 = arith.extui %sign3A_12 : i1 to i32
    %sign3A_14 = arith.constant 0 : i32
    %sign3A_15 = arith.cmpi slt, %jit3A, %sign3A_14 : i32
    %sign3A_16 = arith.extui %sign3A_15 : i1 to i32
    %sign3A_17 = arith.subi %sign3A_13, %sign3A_16 : i32
    %ne3A = arith.cmpi ne, %sign3A_10, %sign3A_17 : i32
    %rem3A = arith.remsi %add3A_4, %jit3A : i32
    %ne3A_18 = arith.constant 0 : i32
    %ne3A_19 = arith.cmpi ne, %rem3A, %ne3A_18 : i32
    %and3A = arith.andi %ne3A, %ne3A_19 : i1
    %sub3A = arith.constant 1 : i32
    %sub3A_20 = arith.subi %div3A, %sub3A : i32
    %select_n3A = arith.select %and3A, %sub3A_20, %div3A : i32
    %jit3A_21 = arith.constant 8192 : i32
    %eq3A = arith.constant 0 : i32
    %eq3A_22 = arith.cmpi eq, %jit3A_21, %eq3A : i32
    %jit3A_23 = arith.constant 1 : i32
    %select_n3A_24 = arith.select %eq3A_22, %jit3A_23, %jit3A_21 : i32
    %rem3A_25 = arith.remsi %add3A_4, %select_n3A_24 : i32
    %ne3A_26 = arith.constant 0 : i32
    %ne3A_27 = arith.cmpi ne, %rem3A_25, %ne3A_26 : i32
    %lt3A = arith.constant 0 : i32
    %lt3A_28 = arith.cmpi slt, %rem3A_25, %lt3A : i32
    %lt3A_29 = arith.constant 0 : i32
    %lt3A_30 = arith.cmpi slt, %select_n3A_24, %lt3A_29 : i32
    %ne3A_31 = arith.xori %lt3A_28, %lt3A_30 : i1
    %and3A_32 = arith.andi %ne3A_31, %ne3A_27 : i1
    %add3A_33 = arith.addi %rem3A_25, %select_n3A_24 : i32
    %select_n3A_34 = arith.select %and3A_32, %add3A_33, %rem3A_25 : i32
    %add3A_35 = arith.constant 0 : i32
    %add3A_36 = arith.addi %add3A_4, %add3A_35 : i32
    %dma_start3A = arith.constant 0 : i32
    %dma_start3A_37 = tpu.memref_slice %arg2[%add3A_36, %dma_start3A] : memref<32768x1024xf32, #tpu.memory_space<hbm>> -> memref<32x1024xf32, #tpu.memory_space<hbm>>
    %dma_start3A_38 = arith.constant 0 : i32
    %dma_start3A_39 = tpu.memref_slice %arg2[%add3A_36, %dma_start3A_38] : memref<32768x1024xf32, #tpu.memory_space<hbm>> -> memref<32x1024xf32, #tpu.memory_space<hbm>>
    tpu.enqueue_dma source(%dma_start3A_39 : memref<32x1024xf32, #tpu.memory_space<hbm>>) target(%arg5 : memref<32x1024xf32, #tpu.memory_space<vmem>>) target_semaphore(%arg7 : memref<!tpu.dma_semaphore, #tpu.memory_space<semaphore_mem>>)
    %dma_wait3A = arith.constant 0 : i32
    %dma_wait3A_40 = tpu.memref_slice %arg2[%add3A_36, %dma_wait3A] : memref<32768x1024xf32, #tpu.memory_space<hbm>> -> memref<32x1024xf32, #tpu.memory_space<hbm>>
    %dma_wait3A_41 = arith.constant 0 : i32
    %dma_wait3A_42 = tpu.memref_slice %arg2[%add3A_36, %dma_wait3A_41] : memref<32768x1024xf32, #tpu.memory_space<hbm>> -> memref<32x1024xf32, #tpu.memory_space<hbm>>
    tpu.wait_dma2 semaphore(%arg7 : memref<!tpu.dma_semaphore, #tpu.memory_space<semaphore_mem>>) src(%dma_wait3A_42 : memref<32x1024xf32, #tpu.memory_space<hbm>>) dst(%arg5 : memref<32x1024xf32, #tpu.memory_space<vmem>>)
    %add3A_43 = arith.constant 0 : i32
    %add3A_44 = arith.addi %select_n3A_34, %add3A_43 : i32
    %dma_start3A_45 = arith.constant 0 : i32
    %dma_start3A_46 = tpu.memref_slice %arg3[%select_n3A, %add3A_44, %dma_start3A_45] : memref<4x8192x1024xf32, #tpu.memory_space<hbm>> -> memref<1x32x1024xf32, #tpu.memory_space<hbm>>
    %dma_start3A_47 = tpu.memref_squeeze %dma_start3A_46 : memref<1x32x1024xf32, #tpu.memory_space<hbm>> -> memref<32x1024xf32, #tpu.memory_space<hbm>>
    %dma_start3A_48 = arith.constant 0 : i32
    %dma_start3A_49 = tpu.memref_slice %arg3[%select_n3A, %add3A_44, %dma_start3A_48] : memref<4x8192x1024xf32, #tpu.memory_space<hbm>> -> memref<1x32x1024xf32, #tpu.memory_space<hbm>>
    %dma_start3A_50 = tpu.memref_squeeze %dma_start3A_49 : memref<1x32x1024xf32, #tpu.memory_space<hbm>> -> memref<32x1024xf32, #tpu.memory_space<hbm>>
    tpu.enqueue_dma source(%arg5 : memref<32x1024xf32, #tpu.memory_space<vmem>>) target(%dma_start3A_50 : memref<32x1024xf32, #tpu.memory_space<hbm>>) target_semaphore(%arg9 : memref<!tpu.dma_semaphore, #tpu.memory_space<semaphore_mem>>)
    %add3A_51 = arith.constant 0 : i32
    %add3A_52 = arith.addi %add3A_4, %add3A_51 : i32
    %dma_start3A_53 = arith.constant 0 : i32
    %dma_start3A_54 = tpu.memref_slice %arg4[%add3A_52, %dma_start3A_53] : memref<32768x1024xf32, #tpu.memory_space<hbm>> -> memref<32x1024xf32, #tpu.memory_space<hbm>>
    %dma_start3A_55 = arith.constant 0 : i32
    %dma_start3A_56 = tpu.memref_slice %arg4[%add3A_52, %dma_start3A_55] : memref<32768x1024xf32, #tpu.memory_space<hbm>> -> memref<32x1024xf32, #tpu.memory_space<hbm>>
    tpu.enqueue_dma source(%arg5 : memref<32x1024xf32, #tpu.memory_space<vmem>>) target(%dma_start3A_56 : memref<32x1024xf32, #tpu.memory_space<hbm>>) target_semaphore(%arg11 : memref<!tpu.dma_semaphore, #tpu.memory_space<semaphore_mem>>)
    %add3A_57 = arith.constant 32 : i32
    %add3A_58 = arith.addi %add3A_4, %add3A_57 : i32
    %dma_start3A_59 = arith.constant 0 : i32
    %dma_start3A_60 = tpu.memref_slice %arg2[%add3A_58, %dma_start3A_59] : memref<32768x1024xf32, #tpu.memory_space<hbm>> -> memref<32x1024xf32, #tpu.memory_space<hbm>>
    %dma_start3A_61 = arith.constant 0 : i32
    %dma_start3A_62 = tpu.memref_slice %arg2[%add3A_58, %dma_start3A_61] : memref<32768x1024xf32, #tpu.memory_space<hbm>> -> memref<32x1024xf32, #tpu.memory_space<hbm>>
    tpu.enqueue_dma source(%dma_start3A_62 : memref<32x1024xf32, #tpu.memory_space<hbm>>) target(%arg6 : memref<32x1024xf32, #tpu.memory_space<vmem>>) target_semaphore(%arg8 : memref<!tpu.dma_semaphore, #tpu.memory_space<semaphore_mem>>)
    %dma_wait3A_63 = arith.constant 0 : i32
    %dma_wait3A_64 = tpu.memref_slice %arg2[%add3A_58, %dma_wait3A_63] : memref<32768x1024xf32, #tpu.memory_space<hbm>> -> memref<32x1024xf32, #tpu.memory_space<hbm>>
    %dma_wait3A_65 = arith.constant 0 : i32
    %dma_wait3A_66 = tpu.memref_slice %arg2[%add3A_58, %dma_wait3A_65] : memref<32768x1024xf32, #tpu.memory_space<hbm>> -> memref<32x1024xf32, #tpu.memory_space<hbm>>
    tpu.wait_dma2 semaphore(%arg8 : memref<!tpu.dma_semaphore, #tpu.memory_space<semaphore_mem>>) src(%dma_wait3A_66 : memref<32x1024xf32, #tpu.memory_space<hbm>>) dst(%arg6 : memref<32x1024xf32, #tpu.memory_space<vmem>>)
    %add3A_67 = arith.constant 32 : i32
    %add3A_68 = arith.addi %select_n3A_34, %add3A_67 : i32
    %dma_start3A_69 = arith.constant 0 : i32
    %dma_start3A_70 = tpu.memref_slice %arg3[%select_n3A, %add3A_68, %dma_start3A_69] : memref<4x8192x1024xf32, #tpu.memory_space<hbm>> -> memref<1x32x1024xf32, #tpu.memory_space<hbm>>
    %dma_start3A_71 = tpu.memref_squeeze %dma_start3A_70 : memref<1x32x1024xf32, #tpu.memory_space<hbm>> -> memref<32x1024xf32, #tpu.memory_space<hbm>>
    %dma_start3A_72 = arith.constant 0 : i32
    %dma_start3A_73 = tpu.memref_slice %arg3[%select_n3A, %add3A_68, %dma_start3A_72] : memref<4x8192x1024xf32, #tpu.memory_space<hbm>> -> memref<1x32x1024xf32, #tpu.memory_space<hbm>>
    %dma_start3A_74 = tpu.memref_squeeze %dma_start3A_73 : memref<1x32x1024xf32, #tpu.memory_space<hbm>> -> memref<32x1024xf32, #tpu.memory_space<hbm>>
    tpu.enqueue_dma source(%arg6 : memref<32x1024xf32, #tpu.memory_space<vmem>>) target(%dma_start3A_74 : memref<32x1024xf32, #tpu.memory_space<hbm>>) target_semaphore(%arg10 : memref<!tpu.dma_semaphore, #tpu.memory_space<semaphore_mem>>)
    %add3A_75 = arith.constant 32 : i32
    %add3A_76 = arith.addi %add3A_4, %add3A_75 : i32
    %dma_start3A_77 = arith.constant 0 : i32
    %dma_start3A_78 = tpu.memref_slice %arg4[%add3A_76, %dma_start3A_77] : memref<32768x1024xf32, #tpu.memory_space<hbm>> -> memref<32x1024xf32, #tpu.memory_space<hbm>>
    %dma_start3A_79 = arith.constant 0 : i32
    %dma_start3A_80 = tpu.memref_slice %arg4[%add3A_76, %dma_start3A_79] : memref<32768x1024xf32, #tpu.memory_space<hbm>> -> memref<32x1024xf32, #tpu.memory_space<hbm>>
    tpu.enqueue_dma source(%arg6 : memref<32x1024xf32, #tpu.memory_space<vmem>>) target(%dma_start3A_80 : memref<32x1024xf32, #tpu.memory_space<hbm>>) target_semaphore(%arg12 : memref<!tpu.dma_semaphore, #tpu.memory_space<semaphore_mem>>)
    %add3A_81 = arith.constant 0 : i32
    %add3A_82 = arith.addi %select_n3A_34, %add3A_81 : i32
    %dma_wait3A_83 = arith.constant 0 : i32
    %dma_wait3A_84 = tpu.memref_slice %arg3[%select_n3A, %add3A_82, %dma_wait3A_83] : memref<4x8192x1024xf32, #tpu.memory_space<hbm>> -> memref<1x32x1024xf32, #tpu.memory_space<hbm>>
    %dma_wait3A_85 = tpu.memref_squeeze %dma_wait3A_84 : memref<1x32x1024xf32, #tpu.memory_space<hbm>> -> memref<32x1024xf32, #tpu.memory_space<hbm>>
    %dma_wait3A_86 = arith.constant 0 : i32
    %dma_wait3A_87 = tpu.memref_slice %arg3[%select_n3A, %add3A_82, %dma_wait3A_86] : memref<4x8192x1024xf32, #tpu.memory_space<hbm>> -> memref<1x32x1024xf32, #tpu.memory_space<hbm>>
    %dma_wait3A_88 = tpu.memref_squeeze %dma_wait3A_87 : memref<1x32x1024xf32, #tpu.memory_space<hbm>> -> memref<32x1024xf32, #tpu.memory_space<hbm>>
    tpu.wait_dma2 semaphore(%arg9 : memref<!tpu.dma_semaphore, #tpu.memory_space<semaphore_mem>>) src(%arg5 : memref<32x1024xf32, #tpu.memory_space<vmem>>) dst(%dma_wait3A_88 : memref<32x1024xf32, #tpu.memory_space<hbm>>)
    %add3A_89 = arith.constant 0 : i32
    %add3A_90 = arith.addi %add3A_4, %add3A_89 : i32
    %dma_wait3A_91 = arith.constant 0 : i32
    %dma_wait3A_92 = tpu.memref_slice %arg4[%add3A_90, %dma_wait3A_91] : memref<32768x1024xf32, #tpu.memory_space<hbm>> -> memref<32x1024xf32, #tpu.memory_space<hbm>>
    %dma_wait3A_93 = arith.constant 0 : i32
    %dma_wait3A_94 = tpu.memref_slice %arg4[%add3A_90, %dma_wait3A_93] : memref<32768x1024xf32, #tpu.memory_space<hbm>> -> memref<32x1024xf32, #tpu.memory_space<hbm>>
    tpu.wait_dma2 semaphore(%arg11 : memref<!tpu.dma_semaphore, #tpu.memory_space<semaphore_mem>>) src(%arg5 : memref<32x1024xf32, #tpu.memory_space<vmem>>) dst(%dma_wait3A_94 : memref<32x1024xf32, #tpu.memory_space<hbm>>)
    %add3A_95 = arith.constant 64 : i32
    %add3A_96 = arith.addi %add3A_4, %add3A_95 : i32
    %dma_start3A_97 = arith.constant 0 : i32
    %dma_start3A_98 = tpu.memref_slice %arg2[%add3A_96, %dma_start3A_97] : memref<32768x1024xf32, #tpu.memory_space<hbm>> -> memref<32x1024xf32, #tpu.memory_space<hbm>>
    %dma_start3A_99 = arith.constant 0 : i32
    %dma_start3A_100 = tpu.memref_slice %arg2[%add3A_96, %dma_start3A_99] : memref<32768x1024xf32, #tpu.memory_space<hbm>> -> memref<32x1024xf32, #tpu.memory_space<hbm>>
    tpu.enqueue_dma source(%dma_start3A_100 : memref<32x1024xf32, #tpu.memory_space<hbm>>) target(%arg5 : memref<32x1024xf32, #tpu.memory_space<vmem>>) target_semaphore(%arg7 : memref<!tpu.dma_semaphore, #tpu.memory_space<semaphore_mem>>)
    %dma_wait3A_101 = arith.constant 0 : i32
    %dma_wait3A_102 = tpu.memref_slice %arg2[%add3A_96, %dma_wait3A_101] : memref<32768x1024xf32, #tpu.memory_space<hbm>> -> memref<32x1024xf32, #tpu.memory_space<hbm>>
    %dma_wait3A_103 = arith.constant 0 : i32
    %dma_wait3A_104 = tpu.memref_slice %arg2[%add3A_96, %dma_wait3A_103] : memref<32768x1024xf32, #tpu.memory_space<hbm>> -> memref<32x1024xf32, #tpu.memory_space<hbm>>
    tpu.wait_dma2 semaphore(%arg7 : memref<!tpu.dma_semaphore, #tpu.memory_space<semaphore_mem>>) src(%dma_wait3A_104 : memref<32x1024xf32, #tpu.memory_space<hbm>>) dst(%arg5 : memref<32x1024xf32, #tpu.memory_space<vmem>>)
    %add3A_105 = arith.constant 64 : i32
    %add3A_106 = arith.addi %select_n3A_34, %add3A_105 : i32
    %dma_start3A_107 = arith.constant 0 : i32
    %dma_start3A_108 = tpu.memref_slice %arg3[%select_n3A, %add3A_106, %dma_start3A_107] : memref<4x8192x1024xf32, #tpu.memory_space<hbm>> -> memref<1x32x1024xf32, #tpu.memory_space<hbm>>
    %dma_start3A_109 = tpu.memref_squeeze %dma_start3A_108 : memref<1x32x1024xf32, #tpu.memory_space<hbm>> -> memref<32x1024xf32, #tpu.memory_space<hbm>>
    %dma_start3A_110 = arith.constant 0 : i32
    %dma_start3A_111 = tpu.memref_slice %arg3[%select_n3A, %add3A_106, %dma_start3A_110] : memref<4x8192x1024xf32, #tpu.memory_space<hbm>> -> memref<1x32x1024xf32, #tpu.memory_space<hbm>>
    %dma_start3A_112 = tpu.memref_squeeze %dma_start3A_111 : memref<1x32x1024xf32, #tpu.memory_space<hbm>> -> memref<32x1024xf32, #tpu.memory_space<hbm>>
    tpu.enqueue_dma source(%arg5 : memref<32x1024xf32, #tpu.memory_space<vmem>>) target(%dma_start3A_112 : memref<32x1024xf32, #tpu.memory_space<hbm>>) target_semaphore(%arg9 : memref<!tpu.dma_semaphore, #tpu.memory_space<semaphore_mem>>)
    %add3A_113 = arith.constant 64 : i32
    %add3A_114 = arith.addi %add3A_4, %add3A_113 : i32
    %dma_start3A_115 = arith.constant 0 : i32
    %dma_start3A_116 = tpu.memref_slice %arg4[%add3A_114, %dma_start3A_115] : memref<32768x1024xf32, #tpu.memory_space<hbm>> -> memref<32x1024xf32, #tpu.memory_space<hbm>>
    %dma_start3A_117 = arith.constant 0 : i32
    %dma_start3A_118 = tpu.memref_slice %arg4[%add3A_114, %dma_start3A_117] : memref<32768x1024xf32, #tpu.memory_space<hbm>> -> memref<32x1024xf32, #tpu.memory_space<hbm>>
    tpu.enqueue_dma source(%arg5 : memref<32x1024xf32, #tpu.memory_space<vmem>>) target(%dma_start3A_118 : memref<32x1024xf32, #tpu.memory_space<hbm>>) target_semaphore(%arg11 : memref<!tpu.dma_semaphore, #tpu.memory_space<semaphore_mem>>)
    %add3A_119 = arith.constant 32 : i32
    %add3A_120 = arith.addi %select_n3A_34, %add3A_119 : i32
    %dma_wait3A_121 = arith.constant 0 : i32
    %dma_wait3A_122 = tpu.memref_slice %arg3[%select_n3A, %add3A_120, %dma_wait3A_121] : memref<4x8192x1024xf32, #tpu.memory_space<hbm>> -> memref<1x32x1024xf32, #tpu.memory_space<hbm>>
    %dma_wait3A_123 = tpu.memref_squeeze %dma_wait3A_122 : memref<1x32x1024xf32, #tpu.memory_space<hbm>> -> memref<32x1024xf32, #tpu.memory_space<hbm>>
    %dma_wait3A_124 = arith.constant 0 : i32
    %dma_wait3A_125 = tpu.memref_slice %arg3[%select_n3A, %add3A_120, %dma_wait3A_124] : memref<4x8192x1024xf32, #tpu.memory_space<hbm>> -> memref<1x32x1024xf32, #tpu.memory_space<hbm>>
    %dma_wait3A_126 = tpu.memref_squeeze %dma_wait3A_125 : memref<1x32x1024xf32, #tpu.memory_space<hbm>> -> memref<32x1024xf32, #tpu.memory_space<hbm>>
    tpu.wait_dma2 semaphore(%arg10 : memref<!tpu.dma_semaphore, #tpu.memory_space<semaphore_mem>>) src(%arg6 : memref<32x1024xf32, #tpu.memory_space<vmem>>) dst(%dma_wait3A_126 : memref<32x1024xf32, #tpu.memory_space<hbm>>)
    %add3A_127 = arith.constant 32 : i32
    %add3A_128 = arith.addi %add3A_4, %add3A_127 : i32
    %dma_wait3A_129 = arith.constant 0 : i32
    %dma_wait3A_130 = tpu.memref_slice %arg4[%add3A_128, %dma_wait3A_129] : memref<32768x1024xf32, #tpu.memory_space<hbm>> -> memref<32x1024xf32, #tpu.memory_space<hbm>>
    %dma_wait3A_131 = arith.constant 0 : i32
    %dma_wait3A_132 = tpu.memref_slice %arg4[%add3A_128, %dma_wait3A_131] : memref<32768x1024xf32, #tpu.memory_space<hbm>> -> memref<32x1024xf32, #tpu.memory_space<hbm>>
    tpu.wait_dma2 semaphore(%arg12 : memref<!tpu.dma_semaphore, #tpu.memory_space<semaphore_mem>>) src(%arg6 : memref<32x1024xf32, #tpu.memory_space<vmem>>) dst(%dma_wait3A_132 : memref<32x1024xf32, #tpu.memory_space<hbm>>)
    %add3A_133 = arith.constant 96 : i32
    %add3A_134 = arith.addi %add3A_4, %add3A_133 : i32
    %dma_start3A_135 = arith.constant 0 : i32
    %dma_start3A_136 = tpu.memref_slice %arg2[%add3A_134, %dma_start3A_135] : memref<32768x1024xf32, #tpu.memory_space<hbm>> -> memref<32x1024xf32, #tpu.memory_space<hbm>>
    %dma_start3A_137 = arith.constant 0 : i32
    %dma_start3A_138 = tpu.memref_slice %arg2[%add3A_134, %dma_start3A_137] : memref<32768x1024xf32, #tpu.memory_space<hbm>> -> memref<32x1024xf32, #tpu.memory_space<hbm>>
    tpu.enqueue_dma source(%dma_start3A_138 : memref<32x1024xf32, #tpu.memory_space<hbm>>) target(%arg6 : memref<32x1024xf32, #tpu.memory_space<vmem>>) target_semaphore(%arg8 : memref<!tpu.dma_semaphore, #tpu.memory_space<semaphore_mem>>)
    %dma_wait3A_139 = arith.constant 0 : i32
    %dma_wait3A_140 = tpu.memref_slice %arg2[%add3A_134, %dma_wait3A_139] : memref<32768x1024xf32, #tpu.memory_space<hbm>> -> memref<32x1024xf32, #tpu.memory_space<hbm>>
    %dma_wait3A_141 = arith.constant 0 : i32
    %dma_wait3A_142 = tpu.memref_slice %arg2[%add3A_134, %dma_wait3A_141] : memref<32768x1024xf32, #tpu.memory_space<hbm>> -> memref<32x1024xf32, #tpu.memory_space<hbm>>
    tpu.wait_dma2 semaphore(%arg8 : memref<!tpu.dma_semaphore, #tpu.memory_space<semaphore_mem>>) src(%dma_wait3A_142 : memref<32x1024xf32, #tpu.memory_space<hbm>>) dst(%arg6 : memref<32x1024xf32, #tpu.memory_space<vmem>>)
    %add3A_143 = arith.constant 96 : i32
    %add3A_144 = arith.addi %select_n3A_34, %add3A_143 : i32
    %dma_start3A_145 = arith.constant 0 : i32
    %dma_start3A_146 = tpu.memref_slice %arg3[%select_n3A, %add3A_144, %dma_start3A_145] : memref<4x8192x1024xf32, #tpu.memory_space<hbm>> -> memref<1x32x1024xf32, #tpu.memory_space<hbm>>
    %dma_start3A_147 = tpu.memref_squeeze %dma_start3A_146 : memref<1x32x1024xf32, #tpu.memory_space<hbm>> -> memref<32x1024xf32, #tpu.memory_space<hbm>>
    %dma_start3A_148 = arith.constant 0 : i32
    %dma_start3A_149 = tpu.memref_slice %arg3[%select_n3A, %add3A_144, %dma_start3A_148] : memref<4x8192x1024xf32, #tpu.memory_space<hbm>> -> memref<1x32x1024xf32, #tpu.memory_space<hbm>>
    %dma_start3A_150 = tpu.memref_squeeze %dma_start3A_149 : memref<1x32x1024xf32, #tpu.memory_space<hbm>> -> memref<32x1024xf32, #tpu.memory_space<hbm>>
    tpu.enqueue_dma source(%arg6 : memref<32x1024xf32, #tpu.memory_space<vmem>>) target(%dma_start3A_150 : memref<32x1024xf32, #tpu.memory_space<hbm>>) target_semaphore(%arg10 : memref<!tpu.dma_semaphore, #tpu.memory_space<semaphore_mem>>)
    %add3A_151 = arith.constant 96 : i32
    %add3A_152 = arith.addi %add3A_4, %add3A_151 : i32
    %dma_start3A_153 = arith.constant 0 : i32
    %dma_start3A_154 = tpu.memref_slice %arg4[%add3A_152, %dma_start3A_153] : memref<32768x1024xf32, #tpu.memory_space<hbm>> -> memref<32x1024xf32, #tpu.memory_space<hbm>>
    %dma_start3A_155 = arith.constant 0 : i32
    %dma_start3A_156 = tpu.memref_slice %arg4[%add3A_152, %dma_start3A_155] : memref<32768x1024xf32, #tpu.memory_space<hbm>> -> memref<32x1024xf32, #tpu.memory_space<hbm>>
    tpu.enqueue_dma source(%arg6 : memref<32x1024xf32, #tpu.memory_space<vmem>>) target(%dma_start3A_156 : memref<32x1024xf32, #tpu.memory_space<hbm>>) target_semaphore(%arg12 : memref<!tpu.dma_semaphore, #tpu.memory_space<semaphore_mem>>)
    %add3A_157 = arith.constant 64 : i32
    %add3A_158 = arith.addi %select_n3A_34, %add3A_157 : i32
    %dma_wait3A_159 = arith.constant 0 : i32
    %dma_wait3A_160 = tpu.memref_slice %arg3[%select_n3A, %add3A_158, %dma_wait3A_159] : memref<4x8192x1024xf32, #tpu.memory_space<hbm>> -> memref<1x32x1024xf32, #tpu.memory_space<hbm>>
    %dma_wait3A_161 = tpu.memref_squeeze %dma_wait3A_160 : memref<1x32x1024xf32, #tpu.memory_space<hbm>> -> memref<32x1024xf32, #tpu.memory_space<hbm>>
    %dma_wait3A_162 = arith.constant 0 : i32
    %dma_wait3A_163 = tpu.memref_slice %arg3[%select_n3A, %add3A_158, %dma_wait3A_162] : memref<4x8192x1024xf32, #tpu.memory_space<hbm>> -> memref<1x32x1024xf32, #tpu.memory_space<hbm>>
    %dma_wait3A_164 = tpu.memref_squeeze %dma_wait3A_163 : memref<1x32x1024xf32, #tpu.memory_space<hbm>> -> memref<32x1024xf32, #tpu.memory_space<hbm>>
    tpu.wait_dma2 semaphore(%arg9 : memref<!tpu.dma_semaphore, #tpu.memory_space<semaphore_mem>>) src(%arg5 : memref<32x1024xf32, #tpu.memory_space<vmem>>) dst(%dma_wait3A_164 : memref<32x1024xf32, #tpu.memory_space<hbm>>)
    %add3A_165 = arith.constant 64 : i32
    %add3A_166 = arith.addi %add3A_4, %add3A_165 : i32
    %dma_wait3A_167 = arith.constant 0 : i32
    %dma_wait3A_168 = tpu.memref_slice %arg4[%add3A_166, %dma_wait3A_167] : memref<32768x1024xf32, #tpu.memory_space<hbm>> -> memref<32x1024xf32, #tpu.memory_space<hbm>>
    %dma_wait3A_169 = arith.constant 0 : i32
    %dma_wait3A_170 = tpu.memref_slice %arg4[%add3A_166, %dma_wait3A_169] : memref<32768x1024xf32, #tpu.memory_space<hbm>> -> memref<32x1024xf32, #tpu.memory_space<hbm>>
    tpu.wait_dma2 semaphore(%arg11 : memref<!tpu.dma_semaphore, #tpu.memory_space<semaphore_mem>>) src(%arg5 : memref<32x1024xf32, #tpu.memory_space<vmem>>) dst(%dma_wait3A_170 : memref<32x1024xf32, #tpu.memory_space<hbm>>)
    %add3A_171 = arith.constant 128 : i32
    %add3A_172 = arith.addi %add3A_4, %add3A_171 : i32
    %dma_start3A_173 = arith.constant 0 : i32
    %dma_start3A_174 = tpu.memref_slice %arg2[%add3A_172, %dma_start3A_173] : memref<32768x1024xf32, #tpu.memory_space<hbm>> -> memref<32x1024xf32, #tpu.memory_space<hbm>>
    %dma_start3A_175 = arith.constant 0 : i32
    %dma_start3A_176 = tpu.memref_slice %arg2[%add3A_172, %dma_start3A_175] : memref<32768x1024xf32, #tpu.memory_space<hbm>> -> memref<32x1024xf32, #tpu.memory_space<hbm>>
    tpu.enqueue_dma source(%dma_start3A_176 : memref<32x1024xf32, #tpu.memory_space<hbm>>) target(%arg5 : memref<32x1024xf32, #tpu.memory_space<vmem>>) target_semaphore(%arg7 : memref<!tpu.dma_semaphore, #tpu.memory_space<semaphore_mem>>)
    %dma_wait3A_177 = arith.constant 0 : i32
    %dma_wait3A_178 = tpu.memref_slice %arg2[%add3A_172, %dma_wait3A_177] : memref<32768x1024xf32, #tpu.memory_space<hbm>> -> memref<32x1024xf32, #tpu.memory_space<hbm>>
    %dma_wait3A_179 = arith.constant 0 : i32
    %dma_wait3A_180 = tpu.memref_slice %arg2[%add3A_172, %dma_wait3A_179] : memref<32768x1024xf32, #tpu.memory_space<hbm>> -> memref<32x1024xf32, #tpu.memory_space<hbm>>
    tpu.wait_dma2 semaphore(%arg7 : memref<!tpu.dma_semaphore, #tpu.memory_space<semaphore_mem>>) src(%dma_wait3A_180 : memref<32x1024xf32, #tpu.memory_space<hbm>>) dst(%arg5 : memref<32x1024xf32, #tpu.memory_space<vmem>>)
    %add3A_181 = arith.constant 128 : i32
    %add3A_182 = arith.addi %select_n3A_34, %add3A_181 : i32
    %dma_start3A_183 = arith.constant 0 : i32
    %dma_start3A_184 = tpu.memref_slice %arg3[%select_n3A, %add3A_182, %dma_start3A_183] : memref<4x8192x1024xf32, #tpu.memory_space<hbm>> -> memref<1x32x1024xf32, #tpu.memory_space<hbm>>
    %dma_start3A_185 = tpu.memref_squeeze %dma_start3A_184 : memref<1x32x1024xf32, #tpu.memory_space<hbm>> -> memref<32x1024xf32, #tpu.memory_space<hbm>>
    %dma_start3A_186 = arith.constant 0 : i32
    %dma_start3A_187 = tpu.memref_slice %arg3[%select_n3A, %add3A_182, %dma_start3A_186] : memref<4x8192x1024xf32, #tpu.memory_space<hbm>> -> memref<1x32x1024xf32, #tpu.memory_space<hbm>>
    %dma_start3A_188 = tpu.memref_squeeze %dma_start3A_187 : memref<1x32x1024xf32, #tpu.memory_space<hbm>> -> memref<32x1024xf32, #tpu.memory_space<hbm>>
    tpu.enqueue_dma source(%arg5 : memref<32x1024xf32, #tpu.memory_space<vmem>>) target(%dma_start3A_188 : memref<32x1024xf32, #tpu.memory_space<hbm>>) target_semaphore(%arg9 : memref<!tpu.dma_semaphore, #tpu.memory_space<semaphore_mem>>)
    %add3A_189 = arith.constant 128 : i32
    %add3A_190 = arith.addi %add3A_4, %add3A_189 : i32
    %dma_start3A_191 = arith.constant 0 : i32
    %dma_start3A_192 = tpu.memref_slice %arg4[%add3A_190, %dma_start3A_191] : memref<32768x1024xf32, #tpu.memory_space<hbm>> -> memref<32x1024xf32, #tpu.memory_space<hbm>>
    %dma_start3A_193 = arith.constant 0 : i32
    %dma_start3A_194 = tpu.memref_slice %arg4[%add3A_190, %dma_start3A_193] : memref<32768x1024xf32, #tpu.memory_space<hbm>> -> memref<32x1024xf32, #tpu.memory_space<hbm>>
    tpu.enqueue_dma source(%arg5 : memref<32x1024xf32, #tpu.memory_space<vmem>>) target(%dma_start3A_194 : memref<32x1024xf32, #tpu.memory_space<hbm>>) target_semaphore(%arg11 : memref<!tpu.dma_semaphore, #tpu.memory_space<semaphore_mem>>)
    %add3A_195 = arith.constant 96 : i32
    %add3A_196 = arith.addi %select_n3A_34, %add3A_195 : i32
    %dma_wait3A_197 = arith.constant 0 : i32
    %dma_wait3A_198 = tpu.memref_slice %arg3[%select_n3A, %add3A_196, %dma_wait3A_197] : memref<4x8192x1024xf32, #tpu.memory_space<hbm>> -> memref<1x32x1024xf32, #tpu.memory_space<hbm>>
    %dma_wait3A_199 = tpu.memref_squeeze %dma_wait3A_198 : memref<1x32x1024xf32, #tpu.memory_space<hbm>> -> memref<32x1024xf32, #tpu.memory_space<hbm>>
    %dma_wait3A_200 = arith.constant 0 : i32
    %dma_wait3A_201 = tpu.memref_slice %arg3[%select_n3A, %add3A_196, %dma_wait3A_200] : memref<4x8192x1024xf32, #tpu.memory_space<hbm>> -> memref<1x32x1024xf32, #tpu.memory_space<hbm>>
    %dma_wait3A_202 = tpu.memref_squeeze %dma_wait3A_201 : memref<1x32x1024xf32, #tpu.memory_space<hbm>> -> memref<32x1024xf32, #tpu.memory_space<hbm>>
    tpu.wait_dma2 semaphore(%arg10 : memref<!tpu.dma_semaphore, #tpu.memory_space<semaphore_mem>>) src(%arg6 : memref<32x1024xf32, #tpu.memory_space<vmem>>) dst(%dma_wait3A_202 : memref<32x1024xf32, #tpu.memory_space<hbm>>)
    %add3A_203 = arith.constant 96 : i32
    %add3A_204 = arith.addi %add3A_4, %add3A_203 : i32
    %dma_wait3A_205 = arith.constant 0 : i32
    %dma_wait3A_206 = tpu.memref_slice %arg4[%add3A_204, %dma_wait3A_205] : memref<32768x1024xf32, #tpu.memory_space<hbm>> -> memref<32x1024xf32, #tpu.memory_space<hbm>>
    %dma_wait3A_207 = arith.constant 0 : i32
    %dma_wait3A_208 = tpu.memref_slice %arg4[%add3A_204, %dma_wait3A_207] : memref<32768x1024xf32, #tpu.memory_space<hbm>> -> memref<32x1024xf32, #tpu.memory_space<hbm>>
    tpu.wait_dma2 semaphore(%arg12 : memref<!tpu.dma_semaphore, #tpu.memory_space<semaphore_mem>>) src(%arg6 : memref<32x1024xf32, #tpu.memory_space<vmem>>) dst(%dma_wait3A_208 : memref<32x1024xf32, #tpu.memory_space<hbm>>)
    %add3A_209 = arith.constant 160 : i32
    %add3A_210 = arith.addi %add3A_4, %add3A_209 : i32
    %dma_start3A_211 = arith.constant 0 : i32
    %dma_start3A_212 = tpu.memref_slice %arg2[%add3A_210, %dma_start3A_211] : memref<32768x1024xf32, #tpu.memory_space<hbm>> -> memref<32x1024xf32, #tpu.memory_space<hbm>>
    %dma_start3A_213 = arith.constant 0 : i32
    %dma_start3A_214 = tpu.memref_slice %arg2[%add3A_210, %dma_start3A_213] : memref<32768x1024xf32, #tpu.memory_space<hbm>> -> memref<32x1024xf32, #tpu.memory_space<hbm>>
    tpu.enqueue_dma source(%dma_start3A_214 : memref<32x1024xf32, #tpu.memory_space<hbm>>) target(%arg6 : memref<32x1024xf32, #tpu.memory_space<vmem>>) target_semaphore(%arg8 : memref<!tpu.dma_semaphore, #tpu.memory_space<semaphore_mem>>)
    %dma_wait3A_215 = arith.constant 0 : i32
    %dma_wait3A_216 = tpu.memref_slice %arg2[%add3A_210, %dma_wait3A_215] : memref<32768x1024xf32, #tpu.memory_space<hbm>> -> memref<32x1024xf32, #tpu.memory_space<hbm>>
    %dma_wait3A_217 = arith.constant 0 : i32
    %dma_wait3A_218 = tpu.memref_slice %arg2[%add3A_210, %dma_wait3A_217] : memref<32768x1024xf32, #tpu.memory_space<hbm>> -> memref<32x1024xf32, #tpu.memory_space<hbm>>
    tpu.wait_dma2 semaphore(%arg8 : memref<!tpu.dma_semaphore, #tpu.memory_space<semaphore_mem>>) src(%dma_wait3A_218 : memref<32x1024xf32, #tpu.memory_space<hbm>>) dst(%arg6 : memref<32x1024xf32, #tpu.memory_space<vmem>>)
    %add3A_219 = arith.constant 160 : i32
    %add3A_220 = arith.addi %select_n3A_34, %add3A_219 : i32
    %dma_start3A_221 = arith.constant 0 : i32
    %dma_start3A_222 = tpu.memref_slice %arg3[%select_n3A, %add3A_220, %dma_start3A_221] : memref<4x8192x1024xf32, #tpu.memory_space<hbm>> -> memref<1x32x1024xf32, #tpu.memory_space<hbm>>
    %dma_start3A_223 = tpu.memref_squeeze %dma_start3A_222 : memref<1x32x1024xf32, #tpu.memory_space<hbm>> -> memref<32x1024xf32, #tpu.memory_space<hbm>>
    %dma_start3A_224 = arith.constant 0 : i32
    %dma_start3A_225 = tpu.memref_slice %arg3[%select_n3A, %add3A_220, %dma_start3A_224] : memref<4x8192x1024xf32, #tpu.memory_space<hbm>> -> memref<1x32x1024xf32, #tpu.memory_space<hbm>>
    %dma_start3A_226 = tpu.memref_squeeze %dma_start3A_225 : memref<1x32x1024xf32, #tpu.memory_space<hbm>> -> memref<32x1024xf32, #tpu.memory_space<hbm>>
    tpu.enqueue_dma source(%arg6 : memref<32x1024xf32, #tpu.memory_space<vmem>>) target(%dma_start3A_226 : memref<32x1024xf32, #tpu.memory_space<hbm>>) target_semaphore(%arg10 : memref<!tpu.dma_semaphore, #tpu.memory_space<semaphore_mem>>)
    %add3A_227 = arith.constant 160 : i32
    %add3A_228 = arith.addi %add3A_4, %add3A_227 : i32
    %dma_start3A_229 = arith.constant 0 : i32
    %dma_start3A_230 = tpu.memref_slice %arg4[%add3A_228, %dma_start3A_229] : memref<32768x1024xf32, #tpu.memory_space<hbm>> -> memref<32x1024xf32, #tpu.memory_space<hbm>>
    %dma_start3A_231 = arith.constant 0 : i32
    %dma_start3A_232 = tpu.memref_slice %arg4[%add3A_228, %dma_start3A_231] : memref<32768x1024xf32, #tpu.memory_space<hbm>> -> memref<32x1024xf32, #tpu.memory_space<hbm>>
    tpu.enqueue_dma source(%arg6 : memref<32x1024xf32, #tpu.memory_space<vmem>>) target(%dma_start3A_232 : memref<32x1024xf32, #tpu.memory_space<hbm>>) target_semaphore(%arg12 : memref<!tpu.dma_semaphore, #tpu.memory_space<semaphore_mem>>)
    %add3A_233 = arith.constant 128 : i32
    %add3A_234 = arith.addi %select_n3A_34, %add3A_233 : i32
    %dma_wait3A_235 = arith.constant 0 : i32
    %dma_wait3A_236 = tpu.memref_slice %arg3[%select_n3A, %add3A_234, %dma_wait3A_235] : memref<4x8192x1024xf32, #tpu.memory_space<hbm>> -> memref<1x32x1024xf32, #tpu.memory_space<hbm>>
    %dma_wait3A_237 = tpu.memref_squeeze %dma_wait3A_236 : memref<1x32x1024xf32, #tpu.memory_space<hbm>> -> memref<32x1024xf32, #tpu.memory_space<hbm>>
    %dma_wait3A_238 = arith.constant 0 : i32
    %dma_wait3A_239 = tpu.memref_slice %arg3[%select_n3A, %add3A_234, %dma_wait3A_238] : memref<4x8192x1024xf32, #tpu.memory_space<hbm>> -> memref<1x32x1024xf32, #tpu.memory_space<hbm>>
    %dma_wait3A_240 = tpu.memref_squeeze %dma_wait3A_239 : memref<1x32x1024xf32, #tpu.memory_space<hbm>> -> memref<32x1024xf32, #tpu.memory_space<hbm>>
    tpu.wait_dma2 semaphore(%arg9 : memref<!tpu.dma_semaphore, #tpu.memory_space<semaphore_mem>>) src(%arg5 : memref<32x1024xf32, #tpu.memory_space<vmem>>) dst(%dma_wait3A_240 : memref<32x1024xf32, #tpu.memory_space<hbm>>)
    %add3A_241 = arith.constant 128 : i32
    %add3A_242 = arith.addi %add3A_4, %add3A_241 : i32
    %dma_wait3A_243 = arith.constant 0 : i32
    %dma_wait3A_244 = tpu.memref_slice %arg4[%add3A_242, %dma_wait3A_243] : memref<32768x1024xf32, #tpu.memory_space<hbm>> -> memref<32x1024xf32, #tpu.memory_space<hbm>>
    %dma_wait3A_245 = arith.constant 0 : i32
    %dma_wait3A_246 = tpu.memref_slice %arg4[%add3A_242, %dma_wait3A_245] : memref<32768x1024xf32, #tpu.memory_space<hbm>> -> memref<32x1024xf32, #tpu.memory_space<hbm>>
    tpu.wait_dma2 semaphore(%arg11 : memref<!tpu.dma_semaphore, #tpu.memory_space<semaphore_mem>>) src(%arg5 : memref<32x1024xf32, #tpu.memory_space<vmem>>) dst(%dma_wait3A_246 : memref<32x1024xf32, #tpu.memory_space<hbm>>)
    %add3A_247 = arith.constant 192 : i32
    %add3A_248 = arith.addi %add3A_4, %add3A_247 : i32
    %dma_start3A_249 = arith.constant 0 : i32
    %dma_start3A_250 = tpu.memref_slice %arg2[%add3A_248, %dma_start3A_249] : memref<32768x1024xf32, #tpu.memory_space<hbm>> -> memref<32x1024xf32, #tpu.memory_space<hbm>>
    %dma_start3A_251 = arith.constant 0 : i32
    %dma_start3A_252 = tpu.memref_slice %arg2[%add3A_248, %dma_start3A_251] : memref<32768x1024xf32, #tpu.memory_space<hbm>> -> memref<32x1024xf32, #tpu.memory_space<hbm>>
    tpu.enqueue_dma source(%dma_start3A_252 : memref<32x1024xf32, #tpu.memory_space<hbm>>) target(%arg5 : memref<32x1024xf32, #tpu.memory_space<vmem>>) target_semaphore(%arg7 : memref<!tpu.dma_semaphore, #tpu.memory_space<semaphore_mem>>)
    %dma_wait3A_253 = arith.constant 0 : i32
    %dma_wait3A_254 = tpu.memref_slice %arg2[%add3A_248, %dma_wait3A_253] : memref<32768x1024xf32, #tpu.memory_space<hbm>> -> memref<32x1024xf32, #tpu.memory_space<hbm>>
    %dma_wait3A_255 = arith.constant 0 : i32
    %dma_wait3A_256 = tpu.memref_slice %arg2[%add3A_248, %dma_wait3A_255] : memref<32768x1024xf32, #tpu.memory_space<hbm>> -> memref<32x1024xf32, #tpu.memory_space<hbm>>
    tpu.wait_dma2 semaphore(%arg7 : memref<!tpu.dma_semaphore, #tpu.memory_space<semaphore_mem>>) src(%dma_wait3A_256 : memref<32x1024xf32, #tpu.memory_space<hbm>>) dst(%arg5 : memref<32x1024xf32, #tpu.memory_space<vmem>>)
    %add3A_257 = arith.constant 192 : i32
    %add3A_258 = arith.addi %select_n3A_34, %add3A_257 : i32
    %dma_start3A_259 = arith.constant 0 : i32
    %dma_start3A_260 = tpu.memref_slice %arg3[%select_n3A, %add3A_258, %dma_start3A_259] : memref<4x8192x1024xf32, #tpu.memory_space<hbm>> -> memref<1x32x1024xf32, #tpu.memory_space<hbm>>
    %dma_start3A_261 = tpu.memref_squeeze %dma_start3A_260 : memref<1x32x1024xf32, #tpu.memory_space<hbm>> -> memref<32x1024xf32, #tpu.memory_space<hbm>>
    %dma_start3A_262 = arith.constant 0 : i32
    %dma_start3A_263 = tpu.memref_slice %arg3[%select_n3A, %add3A_258, %dma_start3A_262] : memref<4x8192x1024xf32, #tpu.memory_space<hbm>> -> memref<1x32x1024xf32, #tpu.memory_space<hbm>>
    %dma_start3A_264 = tpu.memref_squeeze %dma_start3A_263 : memref<1x32x1024xf32, #tpu.memory_space<hbm>> -> memref<32x1024xf32, #tpu.memory_space<hbm>>
    tpu.enqueue_dma source(%arg5 : memref<32x1024xf32, #tpu.memory_space<vmem>>) target(%dma_start3A_264 : memref<32x1024xf32, #tpu.memory_space<hbm>>) target_semaphore(%arg9 : memref<!tpu.dma_semaphore, #tpu.memory_space<semaphore_mem>>)
    %add3A_265 = arith.constant 192 : i32
    %add3A_266 = arith.addi %add3A_4, %add3A_265 : i32
    %dma_start3A_267 = arith.constant 0 : i32
    %dma_start3A_268 = tpu.memref_slice %arg4[%add3A_266, %dma_start3A_267] : memref<32768x1024xf32, #tpu.memory_space<hbm>> -> memref<32x1024xf32, #tpu.memory_space<hbm>>
    %dma_start3A_269 = arith.constant 0 : i32
    %dma_start3A_270 = tpu.memref_slice %arg4[%add3A_266, %dma_start3A_269] : memref<32768x1024xf32, #tpu.memory_space<hbm>> -> memref<32x1024xf32, #tpu.memory_space<hbm>>
    tpu.enqueue_dma source(%arg5 : memref<32x1024xf32, #tpu.memory_space<vmem>>) target(%dma_start3A_270 : memref<32x1024xf32, #tpu.memory_space<hbm>>) target_semaphore(%arg11 : memref<!tpu.dma_semaphore, #tpu.memory_space<semaphore_mem>>)
    %add3A_271 = arith.constant 160 : i32
    %add3A_272 = arith.addi %select_n3A_34, %add3A_271 : i32
    %dma_wait3A_273 = arith.constant 0 : i32
    %dma_wait3A_274 = tpu.memref_slice %arg3[%select_n3A, %add3A_272, %dma_wait3A_273] : memref<4x8192x1024xf32, #tpu.memory_space<hbm>> -> memref<1x32x1024xf32, #tpu.memory_space<hbm>>
    %dma_wait3A_275 = tpu.memref_squeeze %dma_wait3A_274 : memref<1x32x1024xf32, #tpu.memory_space<hbm>> -> memref<32x1024xf32, #tpu.memory_space<hbm>>
    %dma_wait3A_276 = arith.constant 0 : i32
    %dma_wait3A_277 = tpu.memref_slice %arg3[%select_n3A, %add3A_272, %dma_wait3A_276] : memref<4x8192x1024xf32, #tpu.memory_space<hbm>> -> memref<1x32x1024xf32, #tpu.memory_space<hbm>>
    %dma_wait3A_278 = tpu.memref_squeeze %dma_wait3A_277 : memref<1x32x1024xf32, #tpu.memory_space<hbm>> -> memref<32x1024xf32, #tpu.memory_space<hbm>>
    tpu.wait_dma2 semaphore(%arg10 : memref<!tpu.dma_semaphore, #tpu.memory_space<semaphore_mem>>) src(%arg6 : memref<32x1024xf32, #tpu.memory_space<vmem>>) dst(%dma_wait3A_278 : memref<32x1024xf32, #tpu.memory_space<hbm>>)
    %add3A_279 = arith.constant 160 : i32
    %add3A_280 = arith.addi %add3A_4, %add3A_279 : i32
    %dma_wait3A_281 = arith.constant 0 : i32
    %dma_wait3A_282 = tpu.memref_slice %arg4[%add3A_280, %dma_wait3A_281] : memref<32768x1024xf32, #tpu.memory_space<hbm>> -> memref<32x1024xf32, #tpu.memory_space<hbm>>
    %dma_wait3A_283 = arith.constant 0 : i32
    %dma_wait3A_284 = tpu.memref_slice %arg4[%add3A_280, %dma_wait3A_283] : memref<32768x1024xf32, #tpu.memory_space<hbm>> -> memref<32x1024xf32, #tpu.memory_space<hbm>>
    tpu.wait_dma2 semaphore(%arg12 : memref<!tpu.dma_semaphore, #tpu.memory_space<semaphore_mem>>) src(%arg6 : memref<32x1024xf32, #tpu.memory_space<vmem>>) dst(%dma_wait3A_284 : memref<32x1024xf32, #tpu.memory_space<hbm>>)
    %add3A_285 = arith.constant 224 : i32
    %add3A_286 = arith.addi %add3A_4, %add3A_285 : i32
    %dma_start3A_287 = arith.constant 0 : i32
    %dma_start3A_288 = tpu.memref_slice %arg2[%add3A_286, %dma_start3A_287] : memref<32768x1024xf32, #tpu.memory_space<hbm>> -> memref<32x1024xf32, #tpu.memory_space<hbm>>
    %dma_start3A_289 = arith.constant 0 : i32
    %dma_start3A_290 = tpu.memref_slice %arg2[%add3A_286, %dma_start3A_289] : memref<32768x1024xf32, #tpu.memory_space<hbm>> -> memref<32x1024xf32, #tpu.memory_space<hbm>>
    tpu.enqueue_dma source(%dma_start3A_290 : memref<32x1024xf32, #tpu.memory_space<hbm>>) target(%arg6 : memref<32x1024xf32, #tpu.memory_space<vmem>>) target_semaphore(%arg8 : memref<!tpu.dma_semaphore, #tpu.memory_space<semaphore_mem>>)
    %dma_wait3A_291 = arith.constant 0 : i32
    %dma_wait3A_292 = tpu.memref_slice %arg2[%add3A_286, %dma_wait3A_291] : memref<32768x1024xf32, #tpu.memory_space<hbm>> -> memref<32x1024xf32, #tpu.memory_space<hbm>>
    %dma_wait3A_293 = arith.constant 0 : i32
    %dma_wait3A_294 = tpu.memref_slice %arg2[%add3A_286, %dma_wait3A_293] : memref<32768x1024xf32, #tpu.memory_space<hbm>> -> memref<32x1024xf32, #tpu.memory_space<hbm>>
    tpu.wait_dma2 semaphore(%arg8 : memref<!tpu.dma_semaphore, #tpu.memory_space<semaphore_mem>>) src(%dma_wait3A_294 : memref<32x1024xf32, #tpu.memory_space<hbm>>) dst(%arg6 : memref<32x1024xf32, #tpu.memory_space<vmem>>)
    %add3A_295 = arith.constant 224 : i32
    %add3A_296 = arith.addi %select_n3A_34, %add3A_295 : i32
    %dma_start3A_297 = arith.constant 0 : i32
    %dma_start3A_298 = tpu.memref_slice %arg3[%select_n3A, %add3A_296, %dma_start3A_297] : memref<4x8192x1024xf32, #tpu.memory_space<hbm>> -> memref<1x32x1024xf32, #tpu.memory_space<hbm>>
    %dma_start3A_299 = tpu.memref_squeeze %dma_start3A_298 : memref<1x32x1024xf32, #tpu.memory_space<hbm>> -> memref<32x1024xf32, #tpu.memory_space<hbm>>
    %dma_start3A_300 = arith.constant 0 : i32
    %dma_start3A_301 = tpu.memref_slice %arg3[%select_n3A, %add3A_296, %dma_start3A_300] : memref<4x8192x1024xf32, #tpu.memory_space<hbm>> -> memref<1x32x1024xf32, #tpu.memory_space<hbm>>
    %dma_start3A_302 = tpu.memref_squeeze %dma_start3A_301 : memref<1x32x1024xf32, #tpu.memory_space<hbm>> -> memref<32x1024xf32, #tpu.memory_space<hbm>>
    tpu.enqueue_dma source(%arg6 : memref<32x1024xf32, #tpu.memory_space<vmem>>) target(%dma_start3A_302 : memref<32x1024xf32, #tpu.memory_space<hbm>>) target_semaphore(%arg10 : memref<!tpu.dma_semaphore, #tpu.memory_space<semaphore_mem>>)
    %add3A_303 = arith.constant 224 : i32
    %add3A_304 = arith.addi %add3A_4, %add3A_303 : i32
    %dma_start3A_305 = arith.constant 0 : i32
    %dma_start3A_306 = tpu.memref_slice %arg4[%add3A_304, %dma_start3A_305] : memref<32768x1024xf32, #tpu.memory_space<hbm>> -> memref<32x1024xf32, #tpu.memory_space<hbm>>
    %dma_start3A_307 = arith.constant 0 : i32
    %dma_start3A_308 = tpu.memref_slice %arg4[%add3A_304, %dma_start3A_307] : memref<32768x1024xf32, #tpu.memory_space<hbm>> -> memref<32x1024xf32, #tpu.memory_space<hbm>>
    tpu.enqueue_dma source(%arg6 : memref<32x1024xf32, #tpu.memory_space<vmem>>) target(%dma_start3A_308 : memref<32x1024xf32, #tpu.memory_space<hbm>>) target_semaphore(%arg12 : memref<!tpu.dma_semaphore, #tpu.memory_space<semaphore_mem>>)
    %add3A_309 = arith.constant 192 : i32
    %add3A_310 = arith.addi %select_n3A_34, %add3A_309 : i32
    %dma_wait3A_311 = arith.constant 0 : i32
    %dma_wait3A_312 = tpu.memref_slice %arg3[%select_n3A, %add3A_310, %dma_wait3A_311] : memref<4x8192x1024xf32, #tpu.memory_space<hbm>> -> memref<1x32x1024xf32, #tpu.memory_space<hbm>>
    %dma_wait3A_313 = tpu.memref_squeeze %dma_wait3A_312 : memref<1x32x1024xf32, #tpu.memory_space<hbm>> -> memref<32x1024xf32, #tpu.memory_space<hbm>>
    %dma_wait3A_314 = arith.constant 0 : i32
    %dma_wait3A_315 = tpu.memref_slice %arg3[%select_n3A, %add3A_310, %dma_wait3A_314] : memref<4x8192x1024xf32, #tpu.memory_space<hbm>> -> memref<1x32x1024xf32, #tpu.memory_space<hbm>>
    %dma_wait3A_316 = tpu.memref_squeeze %dma_wait3A_315 : memref<1x32x1024xf32, #tpu.memory_space<hbm>> -> memref<32x1024xf32, #tpu.memory_space<hbm>>
    tpu.wait_dma2 semaphore(%arg9 : memref<!tpu.dma_semaphore, #tpu.memory_space<semaphore_mem>>) src(%arg5 : memref<32x1024xf32, #tpu.memory_space<vmem>>) dst(%dma_wait3A_316 : memref<32x1024xf32, #tpu.memory_space<hbm>>)
    %add3A_317 = arith.constant 192 : i32
    %add3A_318 = arith.addi %add3A_4, %add3A_317 : i32
    %dma_wait3A_319 = arith.constant 0 : i32
    %dma_wait3A_320 = tpu.memref_slice %arg4[%add3A_318, %dma_wait3A_319] : memref<32768x1024xf32, #tpu.memory_space<hbm>> -> memref<32x1024xf32, #tpu.memory_space<hbm>>
    %dma_wait3A_321 = arith.constant 0 : i32
    %dma_wait3A_322 = tpu.memref_slice %arg4[%add3A_318, %dma_wait3A_321] : memref<32768x1024xf32, #tpu.memory_space<hbm>> -> memref<32x1024xf32, #tpu.memory_space<hbm>>
    tpu.wait_dma2 semaphore(%arg11 : memref<!tpu.dma_semaphore, #tpu.memory_space<semaphore_mem>>) src(%arg5 : memref<32x1024xf32, #tpu.memory_space<vmem>>) dst(%dma_wait3A_322 : memref<32x1024xf32, #tpu.memory_space<hbm>>)
    %add3A_323 = arith.constant 224 : i32
    %add3A_324 = arith.addi %select_n3A_34, %add3A_323 : i32
    %dma_wait3A_325 = arith.constant 0 : i32
    %dma_wait3A_326 = tpu.memref_slice %arg3[%select_n3A, %add3A_324, %dma_wait3A_325] : memref<4x8192x1024xf32, #tpu.memory_space<hbm>> -> memref<1x32x1024xf32, #tpu.memory_space<hbm>>
    %dma_wait3A_327 = tpu.memref_squeeze %dma_wait3A_326 : memref<1x32x1024xf32, #tpu.memory_space<hbm>> -> memref<32x1024xf32, #tpu.memory_space<hbm>>
    %dma_wait3A_328 = arith.constant 0 : i32
    %dma_wait3A_329 = tpu.memref_slice %arg3[%select_n3A, %add3A_324, %dma_wait3A_328] : memref<4x8192x1024xf32, #tpu.memory_space<hbm>> -> memref<1x32x1024xf32, #tpu.memory_space<hbm>>
    %dma_wait3A_330 = tpu.memref_squeeze %dma_wait3A_329 : memref<1x32x1024xf32, #tpu.memory_space<hbm>> -> memref<32x1024xf32, #tpu.memory_space<hbm>>
    tpu.wait_dma2 semaphore(%arg10 : memref<!tpu.dma_semaphore, #tpu.memory_space<semaphore_mem>>) src(%arg6 : memref<32x1024xf32, #tpu.memory_space<vmem>>) dst(%dma_wait3A_330 : memref<32x1024xf32, #tpu.memory_space<hbm>>)
    %add3A_331 = arith.constant 224 : i32
    %add3A_332 = arith.addi %add3A_4, %add3A_331 : i32
    %dma_wait3A_333 = arith.constant 0 : i32
    %dma_wait3A_334 = tpu.memref_slice %arg4[%add3A_332, %dma_wait3A_333] : memref<32768x1024xf32, #tpu.memory_space<hbm>> -> memref<32x1024xf32, #tpu.memory_space<hbm>>
    %dma_wait3A_335 = arith.constant 0 : i32
    %dma_wait3A_336 = tpu.memref_slice %arg4[%add3A_332, %dma_wait3A_335] : memref<32768x1024xf32, #tpu.memory_space<hbm>> -> memref<32x1024xf32, #tpu.memory_space<hbm>>
    tpu.wait_dma2 semaphore(%arg12 : memref<!tpu.dma_semaphore, #tpu.memory_space<semaphore_mem>>) src(%arg6 : memref<32x1024xf32, #tpu.memory_space<vmem>>) dst(%dma_wait3A_336 : memref<32x1024xf32, #tpu.memory_space<hbm>>)
    return
  }
}

module attributes {stable_mosaic.version = 14 : i64} {
  func.func @_tc_body(%arg0: i32, %arg1: i32, %arg2: memref<1x1024x1024xf32, #tpu.memory_space<vmem>>, %arg3: memref<4x8192x1024xf32, #tpu.memory_space<any>>, %arg4: memref<32768x1024xf32, #tpu.memory_space<any>>, %arg5: memref<1x1024x1024xf32, #tpu.memory_space<vmem>>, %arg6: memref<1024x1024xf32, #tpu.memory_space<vmem>>) attributes {dimension_semantics = [#tpu.dimension_semantics<arbitrary>, #tpu.dimension_semantics<arbitrary>], iteration_bounds = array<i64: 3, 8>, scalar_prefetch = 0 : i64, scratch_operands = 0 : i64, tpu.core_type = #tpu.core_type<tc>, window_params = [{transform_indices = @transform_0, window_bounds = array<i64: 1, 1024, 1024>}, {}, {}, {transform_indices = @transform_3, window_bounds = array<i64: 1, 1024, 1024>}, {transform_indices = @transform_4, window_bounds = array<i64: 1024, 1024>}]} {
    %get3A = arith.constant 0 : index
    %get3A_0 = arith.constant 0 : index
    %get3A_1 = arith.constant 0 : index
    %get3A_2 = vector.load %arg2[%get3A, %get3A_0, %get3A_1] : memref<1x1024x1024xf32, #tpu.memory_space<vmem>>, vector<1x1024x1024xf32>
    %swap3A = arith.constant 0 : index
    %swap3A_3 = arith.constant 0 : index
    %swap3A_4 = arith.constant 0 : index
    %swap3A_5 = vector.load %arg5[%swap3A, %swap3A_3, %swap3A_4] : memref<1x1024x1024xf32, #tpu.memory_space<vmem>>, vector<1x1024x1024xf32>
    tpu.vector_store %arg5[%swap3A, %swap3A_3, %swap3A_4], %get3A_2 {strides = array<i32>} : memref<1x1024x1024xf32, #tpu.memory_space<vmem>>, vector<1x1024x1024xf32>,
    %reshape3A = vector.shape_cast %get3A_2 : vector<1x1024x1024xf32> to vector<1024x1024xf32>
    %swap3A_6 = arith.constant 0 : index
    %swap3A_7 = arith.constant 0 : index
    %swap3A_8 = vector.load %arg6[%swap3A_6, %swap3A_7] : memref<1024x1024xf32, #tpu.memory_space<vmem>>, vector<1024x1024xf32>
    tpu.vector_store %arg6[%swap3A_6, %swap3A_7], %reshape3A {strides = array<i32>} : memref<1024x1024xf32, #tpu.memory_space<vmem>>, vector<1024x1024xf32>,
    return
  }
  func.func @transform_0(%arg0: i32, %arg1: i32) -> (i32, i32, i32) {
    %c0_i32 = arith.constant 0 : i32
    %c0_i32_0 = arith.constant 0 : i32
    return %arg0, %arg1, %c0_i32 : i32, i32, i32
  }
  func.func @transform_3(%arg0: i32, %arg1: i32) -> (i32, i32, i32) {
    %c0_i32 = arith.constant 0 : i32
    %c0_i32_0 = arith.constant 0 : i32
    return %arg0, %arg1, %c0_i32 : i32, i32, i32
  }
  func.func @transform_4(%arg0: i32, %arg1: i32) -> (i32, i32) {
    %mul3A = arith.constant 8 : i32
    %mul3A_0 = arith.muli %arg0, %mul3A : i32
    %add3A = arith.addi %mul3A_0, %arg1 : i32
    %c0_i32 = arith.constant 0 : i32
    %c0_i32_1 = arith.constant 0 : i32
    return %add3A, %c0_i32 : i32, i32
  }
}

</mosaic_0001>

<sc_bundles>
// kernel: kernel.4.cloned.1.call-start
scs
__scs_entry_jumppad:
0x0: {  	(pc) =	sbr.rel $0x88, $3  }
0x1: {  	(tag) =	ssettag $0x0;
	lr =	simm.s32 $0x1  }
0x2: {  	[smem:$0x3FA0] =	sst lr;
	_ =	strace $0xD0000000  }
0x3: {  	_ = 	snop  }
0x4: {  	_ = 	snop  }
0x5: {  	_ = 	snop  }
0x6: {  	_ = 	snop  }
0x7: {  	_ = 	snop  }
__scs_overlays_trampoline_lowered:
0x8: {  	[smem:$0x3FAF] =	sst s0  }
0x9: {  	[smem:$0x3FB0] =	sst s1  }
0xa: {  	[smem:$0x3FB1] =	sst s2  }
0xb: {  	[smem:$0x3FB2] =	sst s3  }
0xc: {  	[smem:$0x3FB3] =	sst s4  }
0xd: {  	[smem:$0x3FB4] =	sst s5  }
0xe: {  	[smem:$0x3FB5] =	sst s6  }
0xf: {  	[smem:$0x3FB6] =	sst s7  }
0x10: {  	[smem:$0x3FB7] =	sst s8  }
0x11: {  	[smem:$0x3FB8] =	sst s9;
	s0 =	simm.s32 @!p0 $0x0  }
0x12: {  	s1 =	sld [smem:$0x3F9E];
	s0 =	simm.s32 @p0 $0x1  }
0x13: {  	[smem:$0x3FB9] =	sst s0;
	s0 =	simm.s32 @!p1 $0x0  }
0x14: {  	s2 =	sld [smem:$0x3F9D];
	s0 =	simm.s32 @p1 $0x1  }
0x15: {  	[smem:$0x3FBA] =	sst s0;
	s0 =	simm.s32 @!p2 $0x0  }
0x16: {  	s3 =	sld [smem:$0x3FDB];
	s0 =	simm.s32 @p2 $0x1  }
0x17: {  	s4 =	simm.s32 $0x1BF5;
	[smem:$0x3FBC] =	sst s0  }
0x18: {  	s0 =	sld [smem:$0x3F9F];
	_ =	swait.ge [sflag:s4], $0x0  }
0x19: {  	s7 =	sld [smem:$0x3FA0]  }
0x1a: {  	s8 =	sadd.s32 $0xFFFFE003, lr  }
0x1b: {  	s9 =	sadd.s32 $0xFFFFFEF7, lr;
	s5 =	simm.s32 $0xFFFFFFFF;
	p2 =	slt.u32 s8, $0xFFFFF086  }
0x1c: {  	p1 =	slt.u32 s9, $0xF7A;
	s5 =	simm.s32 @!p2 $0x0  }
0x1d: {  	s5 =	simm.s32 @p1 $0x1;
	p0 =	seq.s32 s7, s2  }
0x1e: {  	s7 =	smul.u32 @!p0 $0xF7A, s2;
	p2 =	seq.s32 @!p0 s5, $0x0  }
0x1f: {  	s9 =	smul.u32 $0xF7A, s1;
	s8 =	simm.s32 @!p0 $0x1BF5;
	p2 =	por !p2, p0  }
0x20: {  	[sflag:s8] =	ssyncset.s32 @!p0 $0xFFFFF086;
	s6 =	sadd.s32 @!p0 s3, s7;
	s7 =	simm.s32 @!p0 $0x108  }
0x21: {  	s3 =	sadd.s32 s3, s9;
	s6 =	sadd.s32 @!p0 $0x88, s6;
	s7 =	simm.s32 @p2 $0x1082  }
0x22: {  	[simem:s7], [sflag:s8] =	dma.local @!p0 [hbm:s6], $0xF7A  }
0x23: {  	s9 =	sor.u32 $0xD0000000, s2;
	s6 =	simm.s32 $0x108;
	_ =	swait.ge @!p0 [sflag:s8], $0x0  }
0x24: {  	s3 =	sadd.s32 $0x88, s3;
	s6 =	simm.s32 @!p1 $0x1082;
	[sflag:s4] =	ssyncset.s32 $0xFFFFF086  }
0x25: {  	[simem:s6], [sflag:s4] =	dma.local [hbm:s3], $0xF7A  }
0x26: {  	[smem:$0x3FA0] =	sst s1;
	(tag) =	ssettag s2;
	_ =	strace s9  }
0x27: {  	s1 =	sld [smem:$0x3FB0]  }
0x28: {  	s2 =	sld [smem:$0x3FB1]  }
0x29: {  	s4 =	sld [smem:$0x3FB3]  }
0x2a: {  	p0 =	seq.s32 s5, $0x0;
	s5 =	sld [smem:$0x3FB4]  }
0x2b: {  	s6 =	sld [smem:$0x3FB5]  }
0x2c: {  	s7 =	sld [smem:$0x3FB6]  }
0x2d: {  	s3 =	simm.s32 $0x108;
	s8 =	sld [smem:$0x3FB7]  }
0x2e: {  	s3 =	simm.s32 @!p0 $0x1082;
	s9 =	sld [smem:$0x3FB8]  }
0x2f: {  	lr =	sadd.s32 s0, s3;
	s0 =	sld [smem:$0x3FAF]  }
0x30: {  	s3 =	sld [smem:$0x3FB2]  }
0x31: {  	[smem:$0x3FBB] =	sst s10  }
0x32: {  	s10 =	sld [smem:$0x3FB9];
	_ =	sdelay $0x3  }
0x33: {  	p0 =	seq.s32 s10, $0x1;
	s10 =	sld [smem:$0x3FBB];
	_ =	sdelay $0x3  }
0x34: {  	[smem:$0x3FBB] =	sst s10  }
0x35: {  	s10 =	sld [smem:$0x3FBA];
	_ =	sdelay $0x3  }
0x36: {  	p1 =	seq.s32 s10, $0x1;
	s10 =	sld [smem:$0x3FBB];
	_ =	sdelay $0x3  }
0x37: {  	[smem:$0x3FBB] =	sst s10  }
0x38: {  	s10 =	sld [smem:$0x3FBC]  }
0x39: {  	_ = 	snop;
	(pc) =	sbr.ind lr, $3  }
0x3a: {  	_ = 	snop  }
0x3b: {  	_ = 	snop  }
0x3c: {  	p2 =	seq.s32 s10, $0x1;
	s10 =	sld [smem:$0x3FBB]  }
0x3d: {  	_ =	shalt  }
0x3e: {  	_ =	shalt  }
0x3f: {  	_ =	shalt  }
0x40: {  	_ =	shalt  }
0x41: {  	_ =	shalt  }
0x42: {  	_ =	shalt  }
0x43: {  	_ =	shalt  }
0x44: {  	_ =	shalt  }
0x45: {  	_ =	shalt  }
0x46: {  	_ =	shalt  }
0x47: {  	_ =	shalt  }
0x48: {  	_ =	shalt  }
0x49: {  	_ =	shalt  }
0x4a: {  	_ =	shalt  }
0x4b: {  	_ =	shalt  }
0x4c: {  	_ =	shalt  }
0x4d: {  	_ =	shalt  }
0x4e: {  	_ =	shalt  }
0x4f: {  	_ =	shalt  }
0x50: {  	_ =	shalt  }
0x51: {  	_ =	shalt  }
0x52: {  	_ =	shalt  }
0x53: {  	_ =	shalt  }
0x54: {  	_ =	shalt  }
0x55: {  	_ =	shalt  }
0x56: {  	_ =	shalt  }
0x57: {  	_ =	shalt  }
0x58: {  	_ =	shalt  }
0x59: {  	_ =	shalt  }
0x5a: {  	_ =	shalt  }
0x5b: {  	_ =	shalt  }
0x5c: {  	_ =	shalt  }
0x5d: {  	_ =	shalt  }
0x5e: {  	_ =	shalt  }
0x5f: {  	_ =	shalt  }
0x60: {  	_ =	shalt  }
0x61: {  	_ =	shalt  }
0x62: {  	_ =	shalt  }
0x63: {  	_ =	shalt  }
0x64: {  	_ =	shalt  }
0x65: {  	_ =	shalt  }
0x66: {  	_ =	shalt  }
0x67: {  	_ =	shalt  }
0x68: {  	_ =	shalt  }
0x69: {  	_ =	shalt  }
0x6a: {  	_ =	shalt  }
0x6b: {  	_ =	shalt  }
0x6c: {  	_ =	shalt  }
0x6d: {  	_ =	shalt  }
0x6e: {  	_ =	shalt  }
0x6f: {  	_ =	shalt  }
0x70: {  	_ =	shalt  }
0x71: {  	_ =	shalt  }
0x72: {  	_ =	shalt  }
0x73: {  	_ =	shalt  }
0x74: {  	_ =	shalt  }
0x75: {  	_ =	shalt  }
0x76: {  	_ =	shalt  }
0x77: {  	_ =	shalt  }
0x78: {  	_ =	shalt  }
0x79: {  	_ =	shalt  }
0x7a: {  	_ =	shalt  }
0x7b: {  	_ =	shalt  }
0x7c: {  	_ =	shalt  }
0x7d: {  	_ =	shalt  }
0x7e: {  	_ =	shalt  }
0x7f: {  	_ =	shalt  }
0x80: {  	_ =	shalt  }
0x81: {  	_ =	shalt  }
0x82: {  	_ =	shalt  }
0x83: {  	_ =	shalt  }
0x84: {  	_ =	shalt  }
0x85: {  	_ =	shalt  }
0x86: {  	_ =	shalt  }
0x87: {  	_ =	shalt  }
.Lfunc_end0:
.L_simem_size_0:
called_computation_lowered:
.L_overlay_start_0:
0x88: {  	s2 =	sld [smem:$0x3FD9]  }
0x89: {  	s3 =	sld [smem:$0x3FFE];
	_ =	sdelay $0x1  }
0x8a: {  	s1 =	srdreg.scid  }
0x8b: {  	s0 =	sand.u32 $0x1, s1  }
0x8c: {  	s15 =	sshll.u32 s0, $0xA;
	s2 =	sadd.s32 s3, s2  }
0x8d: {  	s2 =	sadd.s32 s2, s15  }
0x8e: {  	[smem:$0x3FC7] =	sst s2  }
0x8f: {  	_ = 	snop  }
0x90: {  	s2 =	sld [smem:$0x3FD0];
	_ =	sdelay $0x2  }
0x91: {  	s4 =	simm.s32 $0xA;
	s5 =	simm.s32 $0x10;
	s16 =	sld [smem:$0x3FC9]  }
0x92: {  	[smem:s5], [sflag:s4] =	dma.local [hbm:s2], $0x1  }
0x93: {  	_ =	swait.eq [sflag:s4], $0x1  }
0x94: {  	[sflag:s4] =	ssyncset.done $0x0  }
0x95: {  	s17 =	sld [smem:$0x10];
	[sflag:s4] =	ssyncadd.s32 $0xFFFFFFFF  }
0x96: {  	s18 =	sld [smem:$0x11];
	(tm) =	ssettm $0x1  }
0x97: {  	s19 =	sld [smem:$0x3FFB];
	_ =	sdelay $0x3  }
0x98: {  	_ =	strace s19  }
0x99: {  	s5 =	sld [smem:$0x3FFC];
	_ =	sdelay $0x3  }
0x9a: {  	_ =	strace s5  }
0x9b: {  	s5 =	sld [smem:$0x3FFD];
	_ =	sdelay $0x3  }
0x9c: {  	_ =	strace s5  }
0x9d: {  	_ =	strace $0x8FFFFFFF  }
0x9e: {  	s20 =	sld [smem:$0x3FDB];
	_ =	sdelay $0x1  }
0x9f: {  	s6 =	simm.s32 $_scs_section_size  }
0xa0: {  	s7 =	simm.s32 $_size__tile_overlayer_lowered;
	s8 =	simm.s32 $_tile_overlayer_lowered  }
0xa1: {  	s23 =	simm.s32 $0x1BFF;
	s22 =	sshll.u32 s8, $0x1;
	s5 =	sadd.s32 s6, s20  }
0xa2: {  	s9 =	simm.s32 $0x0;
	s21 =	sshll.u32 s7, $0x1;
	s7 =	sadd.s32 s22, s5  }
0xa3: {  	[timem:s9], [sflag:s23] =	dma.local [hbm:s7], s21  }
0xa4: {  	_ =	swait.ge [sflag:s23], s21  }
0xa5: {  	s6 =	ssub.s32 $0x0, s21;
	[sflag:s23] =	ssyncset.done $0x0  }
0xa6: {  	[sflag:s23] =	ssyncadd.s32 s6;
	_ =	sdelay $0x1  }
0xa7: {  	s24 =	simm.s32 $0x1B8B  }
0xa8: {  	_ =	swait.ge [sflag:s24], $0x1  }
0xa9: {  	[sflag:s24] =	ssyncset.done $0x0  }
0xaa: {  	s25 =	simm.s32 $0x1B8E;
	[sflag:s24] =	ssyncadd.s32 $0xFFFFFFFF  }
0xab: {  	s26 =	simm.s32 $execute0_lowered;
	[smem:$0x3FD2] =	sst s25  }
0xac: {  	s6 =	sshll.u32 s26, $0x1;
	_ =	strace $0x80000046;
	[dreg:$0x1] =	wrdreg $0xFFFFFFFF  }
0xad: {  	s28 =	simm.s32 $_size_execute0_lowered;
	s5 =	sadd.s32 s5, s6;
	[dreg:$0x0] =	wrdreg $0x0  }
0xae: {  	s6 =	sshll.u32 s28, $0x1;
	[dreg:$0x2] =	wrdreg s5  }
0xaf: {  	[dreg:$0x3] =	wrdreg s6  }
0xb0: {  	[dreg:$0x4] =	wrdreg $0xC0  }
0xb1: {  	_ =	task [dreg:s9], $0x5FFFF  }
0xb2: {  	[dreg:$0x1] =	wrdreg $0xFFFFFFFF  }
0xb3: {  	[dreg:$0x0] =	wrdreg $0x60  }
0xb4: {  	[dreg:$0x2] =	wrdreg s16  }
0xb5: {  	[dreg:$0x3] =	wrdreg s17  }
0xb6: {  	[dreg:$0x4] =	wrdreg s18  }
0xb7: {  	[dreg:$0x5] =	wrdreg $0x9  }
0xb8: {  	_ =	task.clear_ibuf [dreg:s9], $0x6FFFF;
	_ =	strace $0x90000046  }
0xb9: {  	s29 =	simm.s32 $0x9;
	_ =	strace $0x80000048  }
0xba: {  	_ =	swait.ge [sflag:s29], $0x1  }
0xbb: {  	[sflag:s29] =	ssyncadd.s32 $0xFFFFFFFF  }
0xbc: {  	_ =	strace $0x90000048  }
0xbd: {  	_ =	sfence  }
0xbe: {  	s30 =	sld [smem:$0x0];
	_ =	sdelay $0x2  }
0xbf: {  	s31 =	sshll.u32 s1, $0xD;
	s1 =	sshrl.u32 s1, $0x2  }
0xc0: {  	s3 =	sand.u32 $0x4000, s31;
	s1 =	sadd.s32 s1, s30  }
0xc1: {  	s0 =	sor.u32 s3, s0;
	s1 =	sshll.u32 s1, $0x11  }
0xc2: {  	s0 =	sor.u32 s1, s0  }
0xc3: {  	s0 =	sadd.s32 $0x8F2B, s0  }
0xc4: {  	[sflag:s0] =	ssyncadd.remote.s32 $0x1  }
0xc5: {  	_ =	sfence.sel $0xFFFF  }
0xc6: {  	[dreg:$0x0] =	wrdreg $0xFFFFFFFF;
	(pc) =	sbr.abs _section_cstart, $3  }
0xc7: {  	[dreg:$0x1] =	wrdreg $0xFFFFFFFF  }
0xc8: {  	_ =	task.clear_ibuf [dreg:s9], $0x2FFFF;
	_ =	strace $0x9FFFFFFF  }
0xc9: {  	(tm) =	ssettm $0x7FFFFFFF  }
tec
execute0_lowered:
.L_overlay_start_1:
0x0: {  	(tag) =	ssettag $0x1  }
0x1: {  	s0 =	rddreg [dreg:$0x0];
	s1 =	srdreg.scid  }
0x2: {  	s3 =	rddreg [dreg:$0x1];
	s2 =	stileid.u32  }
0x3: {  	s5 =	rddreg [dreg:$0x2];
	s15 =	simm.s32 $0x1;
	p0 =	por $0x0, $0x0  }
0x4: {  	s1 =	sand.u32 $0x1, s1;
	s4 =	sshll.u32 s2, $0x10;
	s2 =	simm.s32 $0x0  }
0x5: {  	s6 =	sshll.u32 s1, $0xF;
	[smem:$0x7FF] =	sst s2;
	s1 =	ssub.s32 $0x2, s1  }
0x6: {  	s4 =	sor.u32 s6, s4;
	_ =	strace $0x80000047;
	s8 =	sshrl.u32 s1, $0x1  }
0x7: {  	s6 =	sor.u32 $0x300000, s4;
	s3 =	sadd.s32 s4, s3;
	s1 =	ssub.s32 s1, s8  }
0x8: {  	s21 =	sor.u32 $0x301000, s4;
	s22 =	sor.u32 $0x302000, s4;
	s23 =	sor.u32 $0x303000, s4  }
0x9: {  	s8 =	sor.u32 $0x305000, s4;
	s9 =	sor.u32 $0x306000, s4;
	s10 =	sor.u32 $0x307000, s4  }
0xa: {  	s7 =	sadd.s32 s0, s6;
	s20 =	sadd.s32 $0x300000, s3;
	s6 =	sadd.s32 s5, s6  }
0xb: {  	s31 =	sadd.s32 s0, s21;
	s29 =	sadd.s32 $0x301000, s3;
	s30 =	sadd.s32 s5, s21  }
0xc: {  	s28 =	sadd.s32 s0, s22;
	s25 =	sadd.s32 $0x302000, s3;
	s26 =	sadd.s32 s5, s22  }
0xd: {  	s24 =	sadd.s32 s0, s23;
	s22 =	sadd.s32 $0x303000, s3;
	s23 =	sadd.s32 s5, s23  }
0xe: {  	s19 =	sadd.s32 $0x304000, s3;
	s18 =	sadd.s32 s0, s8;
	s16 =	sadd.s32 $0x305000, s3  }
0xf: {  	s17 =	sadd.s32 s5, s8;
	s14 =	sadd.s32 s0, s9;
	s11 =	sadd.s32 $0x306000, s3  }
0x10: {  	s12 =	sadd.s32 s5, s9;
	s13 =	smax.u32 s1, $0x1;
	[dreg:$0x4] =	wrdreg s7  }
0x11: {  	s9 =	simm.s32 $0x3;
	[dreg:$0x5] =	wrdreg s20;
	p1 =	sne.s32 s13, $0x1  }
.Ltmp0:
0x12: {  	s8 =	simm.s32 $0x5;
	[dreg:$0x6] =	wrdreg s6;
	(pc) =	sbr.rel @!p1 .LBB2_3-.Ltmp0, $4  }
0x13: {  	s7 =	sor.u32 $0x304000, s4;
	s4 =	sadd.s32 $0x307000, s3;
	s1 =	sadd.s32 $0xFFFFFFFF, s13  }
0x14: {  	s13 =	simm.s32 $0x2;
	s6 =	simm.s32 $0x4;
	s3 =	simm.s32 $0x6  }
0x15: {  	s21 =	sadd.s32 s0, s7;
	s20 =	sadd.s32 s5, s7;
	s7 =	sadd.s32 s0, s10  }
0x16: {  	s5 =	sadd.s32 s5, s10;
	s10 =	simm.s32 $0x8000;
	s0 =	rddreg [dreg:$0x4]  }
0x17: {  	[tilespmem:s2], [sflag:$0x1] =	stream.linear.gather [hbm4b:s0+s2], $0x8000, $0x38;
	[tilespmem:$0x10000] =	vst v63  }
0x18: {  	_ =	swait.ge [sflag:s15], $0x8000  }
0x19: {  	[dreg:$0x7] =	wrdreg s1;
	[sflag:s15] =	ssyncset.done $0x0  }
0x1a: {  	s0 =	rddreg [dreg:$0x5];
	[sflag:s15] =	ssyncadd.s32 $0xFFFF8000  }
0x1b: {  	[hbm4b:s0+s2] =	stream.linear.scatter [tilespmem:s2], [sflag:$0x3], $0x8000, $0x38;
	[tilespmem:$0x10000] =	vst v63  }
0x1c: {  	s1 =	rddreg [dreg:$0x6]  }
0x1d: {  	[hbm4b:s1+s2] =	stream.linear.scatter [tilespmem:s2], [sflag:$0x5], $0x8000, $0x38;
	[tilespmem:$0x10000] =	vst v63  }
0x1e: {  	_ = 	snop  }
0x1f: {  	[tilespmem:s10], [sflag:$0x2] =	stream.linear.gather [hbm4b:s31+s2], $0x8000, $0x38;
	[tilespmem:$0x10000] =	vst v63  }
0x20: {  	_ =	swait.ge [sflag:s13], $0x8000  }
0x21: {  	[sflag:s13] =	ssyncset.done $0x0  }
0x22: {  	[sflag:s13] =	ssyncadd.s32 $0xFFFF8000  }
0x23: {  	[hbm4b:s29+s2] =	stream.linear.scatter [tilespmem:s10], [sflag:$0x4], $0x8000, $0x38;
	[tilespmem:$0x10000] =	vst v63  }
0x24: {  	_ = 	snop  }
0x25: {  	[hbm4b:s30+s2] =	stream.linear.scatter [tilespmem:s10], [sflag:$0x6], $0x8000, $0x38;
	[tilespmem:$0x10000] =	vst v63  }
0x26: {  	_ =	swait.ge [sflag:s9], $0x8000  }
0x27: {  	[sflag:s9] =	ssyncset.done $0x0  }
0x28: {  	[sflag:s9] =	ssyncadd.s32 $0xFFFF8000  }
0x29: {  	_ =	swait.ge [sflag:s8], $0x8000  }
0x2a: {  	[sflag:s8] =	ssyncset.done $0x0  }
0x2b: {  	[sflag:s8] =	ssyncadd.s32 $0xFFFF8000  }
0x2c: {  	[tilespmem:s2], [sflag:$0x1] =	stream.linear.gather [hbm4b:s28+s2], $0x8000, $0x38;
	[tilespmem:$0x10000] =	vst v63  }
0x2d: {  	_ =	swait.ge [sflag:s15], $0x8000  }
0x2e: {  	[sflag:s15] =	ssyncset.done $0x0  }
0x2f: {  	[sflag:s15] =	ssyncadd.s32 $0xFFFF8000  }
0x30: {  	[hbm4b:s25+s2] =	stream.linear.scatter [tilespmem:s2], [sflag:$0x3], $0x8000, $0x38;
	[tilespmem:$0x10000] =	vst v63  }
0x31: {  	_ = 	snop  }
0x32: {  	[hbm4b:s26+s2] =	stream.linear.scatter [tilespmem:s2], [sflag:$0x5], $0x8000, $0x38;
	[tilespmem:$0x10000] =	vst v63  }
0x33: {  	_ =	swait.ge [sflag:s6], $0x8000  }
0x34: {  	[sflag:s6] =	ssyncset.done $0x0  }
0x35: {  	[sflag:s6] =	ssyncadd.s32 $0xFFFF8000  }
0x36: {  	_ =	swait.ge [sflag:s3], $0x8000  }
0x37: {  	[sflag:s3] =	ssyncset.done $0x0  }
0x38: {  	[sflag:s3] =	ssyncadd.s32 $0xFFFF8000  }
0x39: {  	[tilespmem:s10], [sflag:$0x2] =	stream.linear.gather [hbm4b:s24+s2], $0x8000, $0x38;
	[tilespmem:$0x10000] =	vst v63  }
0x3a: {  	_ =	swait.ge [sflag:s13], $0x8000  }
0x3b: {  	[sflag:s13] =	ssyncset.done $0x0  }
0x3c: {  	[sflag:s13] =	ssyncadd.s32 $0xFFFF8000  }
0x3d: {  	[hbm4b:s22+s2] =	stream.linear.scatter [tilespmem:s10], [sflag:$0x4], $0x8000, $0x38;
	[tilespmem:$0x10000] =	vst v63  }
0x3e: {  	_ = 	snop  }
0x3f: {  	[hbm4b:s23+s2] =	stream.linear.scatter [tilespmem:s10], [sflag:$0x6], $0x8000, $0x38;
	[tilespmem:$0x10000] =	vst v63  }
0x40: {  	_ =	swait.ge [sflag:s9], $0x8000  }
0x41: {  	[sflag:s9] =	ssyncset.done $0x0  }
0x42: {  	[sflag:s9] =	ssyncadd.s32 $0xFFFF8000  }
0x43: {  	_ =	swait.ge [sflag:s8], $0x8000  }
0x44: {  	[sflag:s8] =	ssyncset.done $0x0  }
0x45: {  	[sflag:s8] =	ssyncadd.s32 $0xFFFF8000  }
0x46: {  	[tilespmem:s2], [sflag:$0x1] =	stream.linear.gather [hbm4b:s21+s2], $0x8000, $0x38;
	[tilespmem:$0x10000] =	vst v63  }
0x47: {  	_ =	swait.ge [sflag:s15], $0x8000  }
0x48: {  	[sflag:s15] =	ssyncset.done $0x0  }
0x49: {  	[sflag:s15] =	ssyncadd.s32 $0xFFFF8000  }
0x4a: {  	[hbm4b:s19+s2] =	stream.linear.scatter [tilespmem:s2], [sflag:$0x3], $0x8000, $0x38;
	[tilespmem:$0x10000] =	vst v63  }
0x4b: {  	_ = 	snop  }
0x4c: {  	[hbm4b:s20+s2] =	stream.linear.scatter [tilespmem:s2], [sflag:$0x5], $0x8000, $0x38;
	[tilespmem:$0x10000] =	vst v63  }
0x4d: {  	_ =	swait.ge [sflag:s6], $0x8000  }
0x4e: {  	[sflag:s6] =	ssyncset.done $0x0  }
0x4f: {  	[sflag:s6] =	ssyncadd.s32 $0xFFFF8000  }
0x50: {  	_ =	swait.ge [sflag:s3], $0x8000  }
0x51: {  	[sflag:s3] =	ssyncset.done $0x0  }
0x52: {  	[sflag:s3] =	ssyncadd.s32 $0xFFFF8000  }
0x53: {  	[tilespmem:s10], [sflag:$0x2] =	stream.linear.gather [hbm4b:s18+s2], $0x8000, $0x38;
	[tilespmem:$0x10000] =	vst v63  }
0x54: {  	_ =	swait.ge [sflag:s13], $0x8000  }
0x55: {  	[sflag:s13] =	ssyncset.done $0x0  }
0x56: {  	[sflag:s13] =	ssyncadd.s32 $0xFFFF8000  }
0x57: {  	[hbm4b:s16+s2] =	stream.linear.scatter [tilespmem:s10], [sflag:$0x4], $0x8000, $0x38;
	[tilespmem:$0x10000] =	vst v63  }
0x58: {  	_ = 	snop  }
0x59: {  	[hbm4b:s17+s2] =	stream.linear.scatter [tilespmem:s10], [sflag:$0x6], $0x8000, $0x38;
	[tilespmem:$0x10000] =	vst v63  }
0x5a: {  	_ =	swait.ge [sflag:s9], $0x8000  }
0x5b: {  	[sflag:s9] =	ssyncset.done $0x0  }
0x5c: {  	[sflag:s9] =	ssyncadd.s32 $0xFFFF8000  }
0x5d: {  	_ =	swait.ge [sflag:s8], $0x8000  }
0x5e: {  	[sflag:s8] =	ssyncset.done $0x0  }
0x5f: {  	[sflag:s8] =	ssyncadd.s32 $0xFFFF8000  }
0x60: {  	[tilespmem:s2], [sflag:$0x1] =	stream.linear.gather [hbm4b:s14+s2], $0x8000, $0x38;
	[tilespmem:$0x10000] =	vst v63  }
0x61: {  	_ =	swait.ge [sflag:s15], $0x8000  }
0x62: {  	[sflag:s15] =	ssyncset.done $0x0  }
0x63: {  	[sflag:s15] =	ssyncadd.s32 $0xFFFF8000  }
0x64: {  	[hbm4b:s11+s2] =	stream.linear.scatter [tilespmem:s2], [sflag:$0x3], $0x8000, $0x38;
	[tilespmem:$0x10000] =	vst v63  }
0x65: {  	_ = 	snop  }
0x66: {  	[hbm4b:s12+s2] =	stream.linear.scatter [tilespmem:s2], [sflag:$0x5], $0x8000, $0x38;
	[tilespmem:$0x10000] =	vst v63  }
0x67: {  	_ =	swait.ge [sflag:s6], $0x8000  }
0x68: {  	[sflag:s6] =	ssyncset.done $0x0  }
0x69: {  	[sflag:s6] =	ssyncadd.s32 $0xFFFF8000  }
0x6a: {  	_ =	swait.ge [sflag:s3], $0x8000  }
0x6b: {  	[sflag:s3] =	ssyncset.done $0x0  }
0x6c: {  	[sflag:s3] =	ssyncadd.s32 $0xFFFF8000  }
0x6d: {  	[tilespmem:s10], [sflag:$0x2] =	stream.linear.gather [hbm4b:s7+s2], $0x8000, $0x38;
	[tilespmem:$0x10000] =	vst v63  }
0x6e: {  	_ =	swait.ge [sflag:s13], $0x8000  }
0x6f: {  	[sflag:s13] =	ssyncset.done $0x0  }
0x70: {  	[sflag:s13] =	ssyncadd.s32 $0xFFFF8000  }
0x71: {  	[hbm4b:s4+s2] =	stream.linear.scatter [tilespmem:s10], [sflag:$0x4], $0x8000, $0x38;
	[tilespmem:$0x10000] =	vst v63  }
0x72: {  	_ = 	snop  }
0x73: {  	[hbm4b:s5+s2] =	stream.linear.scatter [tilespmem:s10], [sflag:$0x6], $0x8000, $0x38;
	[tilespmem:$0x10000] =	vst v63  }
0x74: {  	_ =	swait.ge [sflag:s9], $0x8000  }
0x75: {  	[sflag:s9] =	ssyncset.done $0x0  }
0x76: {  	[sflag:s9] =	ssyncadd.s32 $0xFFFF8000  }
0x77: {  	_ =	swait.ge [sflag:s8], $0x8000  }
0x78: {  	[sflag:s8] =	ssyncset.done $0x0  }
0x79: {  	[sflag:s8] =	ssyncadd.s32 $0xFFFF8000  }
0x7a: {  	_ =	swait.ge [sflag:s6], $0x8000  }
0x7b: {  	s1 =	rddreg [dreg:$0x7]  }
0x7c: {  	p1 =	sne.s32 s1, $0x1  }
.Ltmp1:
0x7d: {  	_ = 	snop;
	(pc) =	sbr.rel @!p1 .LBB2_3-.Ltmp1, $4  }
0x7e: {  	[sflag:s6] =	ssyncset.done $0x0  }
0x7f: {  	[sflag:s6] =	ssyncadd.s32 $0xFFFF8000  }
0x80: {  	p0 =	por $0x1, $0x1;
	_ =	swait.ge [sflag:s3], $0x8000  }
0x81: {  	s1 =	sadd.s32 $0xFFFFFFFF, s1;
	s0 =	rddreg [dreg:$0x4];
	[sflag:s3] =	ssyncset.done $0x0  }
.LBB2_2:
0x82: {  	[sflag:s3] =	ssyncadd.s32 $0xFFFF8000;
	s3 =	smov.u32 s31;
	s31 =	smov.u32 s30  }
0x83: {  	s30 =	smov.u32 s29;
	s29 =	smov.u32 s28;
	s28 =	smov.u32 s26  }
0x84: {  	s26 =	smov.u32 s25;
	s25 =	smov.u32 s24;
	s24 =	smov.u32 s23  }
0x85: {  	s23 =	smov.u32 s22;
	s22 =	smov.u32 s21;
	s21 =	smov.u32 s20  }
0x86: {  	s20 =	smov.u32 s19;
	s19 =	smov.u32 s18;
	s18 =	smov.u32 s17  }
0x87: {  	[tilespmem:s2], [sflag:$0x1] =	stream.linear.gather [hbm4b:s0+s2], $0x8000, $0x38;
	[tilespmem:$0x10000] =	vst v63  }
0x88: {  	s17 =	smov.u32 s16;
	s16 =	smov.u32 s14;
	_ =	swait.ge [sflag:s15], $0x8000  }
0x89: {  	s14 =	smov.u32 s12;
	s12 =	smov.u32 s11;
	[sflag:s15] =	ssyncset.done $0x0  }
0x8a: {  	s11 =	smov.u32 s7;
	s0 =	rddreg [dreg:$0x5];
	[sflag:s15] =	ssyncadd.s32 $0xFFFF8000  }
0x8b: {  	[hbm4b:s0+s2] =	stream.linear.scatter [tilespmem:s2], [sflag:$0x3], $0x8000, $0x38;
	[tilespmem:$0x10000] =	vst v63  }
0x8c: {  	s7 =	smov.u32 s5;
	s5 =	smov.u32 s4;
	s4 =	rddreg [dreg:$0x6]  }
0x8d: {  	[hbm4b:s4+s2] =	stream.linear.scatter [tilespmem:s2], [sflag:$0x5], $0x8000, $0x38;
	[tilespmem:$0x10000] =	vst v63  }
0x8e: {  	s4 =	smov.u32 s5;
	s5 =	smov.u32 s7;
	s7 =	smov.u32 s11  }
0x8f: {  	s11 =	smov.u32 s12;
	s12 =	smov.u32 s14;
	s14 =	smov.u32 s16  }
0x90: {  	s16 =	smov.u32 s17;
	s17 =	smov.u32 s18;
	s18 =	smov.u32 s19  }
0x91: {  	s19 =	smov.u32 s20;
	s20 =	smov.u32 s21;
	s21 =	smov.u32 s22  }
0x92: {  	s22 =	smov.u32 s23;
	s23 =	smov.u32 s24;
	s24 =	smov.u32 s25  }
0x93: {  	s25 =	smov.u32 s26;
	s26 =	smov.u32 s28;
	s28 =	smov.u32 s29  }
0x94: {  	s29 =	smov.u32 s30;
	s30 =	smov.u32 s31;
	s31 =	smov.u32 s3  }
0x95: {  	[tilespmem:s10], [sflag:$0x2] =	stream.linear.gather [hbm4b:s31+s2], $0x8000, $0x38;
	[tilespmem:$0x10000] =	vst v63  }
0x96: {  	_ =	swait.ge [sflag:s13], $0x8000  }
0x97: {  	[sflag:s13] =	ssyncset.done $0x0  }
0x98: {  	[sflag:s13] =	ssyncadd.s32 $0xFFFF8000  }
0x99: {  	[hbm4b:s29+s2] =	stream.linear.scatter [tilespmem:s10], [sflag:$0x4], $0x8000, $0x38;
	[tilespmem:$0x10000] =	vst v63  }
0x9a: {  	_ = 	snop  }
0x9b: {  	[hbm4b:s30+s2] =	stream.linear.scatter [tilespmem:s10], [sflag:$0x6], $0x8000, $0x38;
	[tilespmem:$0x10000] =	vst v63  }
0x9c: {  	_ =	swait.ge [sflag:s9], $0x8000  }
0x9d: {  	[sflag:s9] =	ssyncset.done $0x0  }
0x9e: {  	[sflag:s9] =	ssyncadd.s32 $0xFFFF8000  }
0x9f: {  	_ =	swait.ge [sflag:s8], $0x8000  }
0xa0: {  	[sflag:s8] =	ssyncset.done $0x0  }
0xa1: {  	[sflag:s8] =	ssyncadd.s32 $0xFFFF8000  }
0xa2: {  	[tilespmem:s2], [sflag:$0x1] =	stream.linear.gather [hbm4b:s28+s2], $0x8000, $0x38;
	[tilespmem:$0x10000] =	vst v63  }
0xa3: {  	_ =	swait.ge [sflag:s15], $0x8000  }
0xa4: {  	[sflag:s15] =	ssyncset.done $0x0  }
0xa5: {  	[sflag:s15] =	ssyncadd.s32 $0xFFFF8000  }
0xa6: {  	[hbm4b:s25+s2] =	stream.linear.scatter [tilespmem:s2], [sflag:$0x3], $0x8000, $0x38;
	[tilespmem:$0x10000] =	vst v63  }
0xa7: {  	_ = 	snop  }
0xa8: {  	[hbm4b:s26+s2] =	stream.linear.scatter [tilespmem:s2], [sflag:$0x5], $0x8000, $0x38;
	[tilespmem:$0x10000] =	vst v63  }
0xa9: {  	_ =	swait.ge [sflag:s6], $0x8000  }
0xaa: {  	[sflag:s6] =	ssyncset.done $0x0  }
0xab: {  	s3 =	simm.s32 $0x6;
	[sflag:s6] =	ssyncadd.s32 $0xFFFF8000  }
0xac: {  	_ =	swait.ge [sflag:s3], $0x8000  }
0xad: {  	[sflag:s3] =	ssyncset.done $0x0  }
0xae: {  	[sflag:s3] =	ssyncadd.s32 $0xFFFF8000  }
0xaf: {  	[tilespmem:s10], [sflag:$0x2] =	stream.linear.gather [hbm4b:s24+s2], $0x8000, $0x38;
	[tilespmem:$0x10000] =	vst v63  }
0xb0: {  	_ =	swait.ge [sflag:s13], $0x8000  }
0xb1: {  	[sflag:s13] =	ssyncset.done $0x0  }
0xb2: {  	[sflag:s13] =	ssyncadd.s32 $0xFFFF8000  }
0xb3: {  	[hbm4b:s22+s2] =	stream.linear.scatter [tilespmem:s10], [sflag:$0x4], $0x8000, $0x38;
	[tilespmem:$0x10000] =	vst v63  }
0xb4: {  	_ = 	snop  }
0xb5: {  	[hbm4b:s23+s2] =	stream.linear.scatter [tilespmem:s10], [sflag:$0x6], $0x8000, $0x38;
	[tilespmem:$0x10000] =	vst v63  }
0xb6: {  	_ =	swait.ge [sflag:s9], $0x8000  }
0xb7: {  	[sflag:s9] =	ssyncset.done $0x0  }
0xb8: {  	[sflag:s9] =	ssyncadd.s32 $0xFFFF8000  }
0xb9: {  	_ =	swait.ge [sflag:s8], $0x8000  }
0xba: {  	[sflag:s8] =	ssyncset.done $0x0  }
0xbb: {  	[sflag:s8] =	ssyncadd.s32 $0xFFFF8000  }
0xbc: {  	[tilespmem:s2], [sflag:$0x1] =	stream.linear.gather [hbm4b:s21+s2], $0x8000, $0x38;
	[tilespmem:$0x10000] =	vst v63  }
0xbd: {  	_ =	swait.ge [sflag:s15], $0x8000  }
0xbe: {  	[sflag:s15] =	ssyncset.done $0x0  }
0xbf: {  	[sflag:s15] =	ssyncadd.s32 $0xFFFF8000  }
0xc0: {  	[hbm4b:s19+s2] =	stream.linear.scatter [tilespmem:s2], [sflag:$0x3], $0x8000, $0x38;
	[tilespmem:$0x10000] =	vst v63  }
0xc1: {  	_ = 	snop  }
0xc2: {  	[hbm4b:s20+s2] =	stream.linear.scatter [tilespmem:s2], [sflag:$0x5], $0x8000, $0x38;
	[tilespmem:$0x10000] =	vst v63  }
0xc3: {  	_ =	swait.ge [sflag:s6], $0x8000  }
0xc4: {  	[sflag:s6] =	ssyncset.done $0x0  }
0xc5: {  	[sflag:s6] =	ssyncadd.s32 $0xFFFF8000  }
0xc6: {  	_ =	swait.ge [sflag:s3], $0x8000  }
0xc7: {  	[sflag:s3] =	ssyncset.done $0x0  }
0xc8: {  	[sflag:s3] =	ssyncadd.s32 $0xFFFF8000  }
0xc9: {  	[tilespmem:s10], [sflag:$0x2] =	stream.linear.gather [hbm4b:s18+s2], $0x8000, $0x38;
	[tilespmem:$0x10000] =	vst v63  }
0xca: {  	_ =	swait.ge [sflag:s13], $0x8000  }
0xcb: {  	[sflag:s13] =	ssyncset.done $0x0  }
0xcc: {  	[sflag:s13] =	ssyncadd.s32 $0xFFFF8000  }
0xcd: {  	[hbm4b:s16+s2] =	stream.linear.scatter [tilespmem:s10], [sflag:$0x4], $0x8000, $0x38;
	[tilespmem:$0x10000] =	vst v63  }
0xce: {  	_ = 	snop  }
0xcf: {  	[hbm4b:s17+s2] =	stream.linear.scatter [tilespmem:s10], [sflag:$0x6], $0x8000, $0x38;
	[tilespmem:$0x10000] =	vst v63  }
0xd0: {  	_ =	swait.ge [sflag:s9], $0x8000  }
0xd1: {  	[sflag:s9] =	ssyncset.done $0x0  }
0xd2: {  	[sflag:s9] =	ssyncadd.s32 $0xFFFF8000  }
0xd3: {  	_ =	swait.ge [sflag:s8], $0x8000  }
0xd4: {  	[sflag:s8] =	ssyncset.done $0x0  }
0xd5: {  	[sflag:s8] =	ssyncadd.s32 $0xFFFF8000  }
0xd6: {  	[tilespmem:s2], [sflag:$0x1] =	stream.linear.gather [hbm4b:s14+s2], $0x8000, $0x38;
	[tilespmem:$0x10000] =	vst v63  }
0xd7: {  	_ =	swait.ge [sflag:s15], $0x8000  }
0xd8: {  	[sflag:s15] =	ssyncset.done $0x0  }
0xd9: {  	[sflag:s15] =	ssyncadd.s32 $0xFFFF8000  }
0xda: {  	[hbm4b:s11+s2] =	stream.linear.scatter [tilespmem:s2], [sflag:$0x3], $0x8000, $0x38;
	[tilespmem:$0x10000] =	vst v63  }
0xdb: {  	_ = 	snop  }
0xdc: {  	[hbm4b:s12+s2] =	stream.linear.scatter [tilespmem:s2], [sflag:$0x5], $0x8000, $0x38;
	[tilespmem:$0x10000] =	vst v63  }
0xdd: {  	_ =	swait.ge [sflag:s6], $0x8000  }
0xde: {  	[sflag:s6] =	ssyncset.done $0x0  }
0xdf: {  	[sflag:s6] =	ssyncadd.s32 $0xFFFF8000  }
0xe0: {  	_ =	swait.ge [sflag:s3], $0x8000  }
0xe1: {  	[sflag:s3] =	ssyncset.done $0x0  }
0xe2: {  	[sflag:s3] =	ssyncadd.s32 $0xFFFF8000  }
0xe3: {  	[tilespmem:s10], [sflag:$0x2] =	stream.linear.gather [hbm4b:s7+s2], $0x8000, $0x38;
	[tilespmem:$0x10000] =	vst v63  }
0xe4: {  	_ =	swait.ge [sflag:s13], $0x8000  }
0xe5: {  	[sflag:s13] =	ssyncset.done $0x0  }
0xe6: {  	[sflag:s13] =	ssyncadd.s32 $0xFFFF8000  }
0xe7: {  	[hbm4b:s4+s2] =	stream.linear.scatter [tilespmem:s10], [sflag:$0x4], $0x8000, $0x38;
	[tilespmem:$0x10000] =	vst v63  }
0xe8: {  	_ = 	snop  }
0xe9: {  	[hbm4b:s5+s2] =	stream.linear.scatter [tilespmem:s10], [sflag:$0x6], $0x8000, $0x38;
	[tilespmem:$0x10000] =	vst v63  }
0xea: {  	_ =	swait.ge [sflag:s9], $0x8000  }
0xeb: {  	[sflag:s9] =	ssyncset.done $0x0  }
0xec: {  	[sflag:s9] =	ssyncadd.s32 $0xFFFF8000  }
0xed: {  	_ =	swait.ge [sflag:s8], $0x8000  }
0xee: {  	[sflag:s8] =	ssyncset.done $0x0  }
0xef: {  	p1 =	sne.s32 s1, $0x1;
	[sflag:s8] =	ssyncadd.s32 $0xFFFF8000  }
.Ltmp2:
0xf0: {  	_ =	swait.ge [sflag:s6], $0x8000;
	(pc) =	sbr.rel @p1 .LBB2_2-.Ltmp2, $4  }
0xf1: {  	[sflag:s6] =	ssyncset.done $0x0  }
0xf2: {  	[sflag:s6] =	ssyncadd.s32 $0xFFFF8000  }
0xf3: {  	_ =	swait.ge [sflag:s3], $0x8000  }
0xf4: {  	s1 =	sadd.s32 $0xFFFFFFFF, s1;
	s0 =	rddreg [dreg:$0x4];
	[sflag:s3] =	ssyncset.done $0x0  }
.LBB2_3:
0xf5: {  	[sflag:s3] =	ssyncadd.s32 @p0 $0xFFFF8000  }
0xf6: {  	[tilespmem:s2], [sflag:$0x1] =	stream.linear.gather [hbm4b:s0+s2], $0x8000, $0x38;
	[tilespmem:$0x10000] =	vst v63  }
0xf7: {  	_ =	swait.ge [sflag:s15], $0x8000  }
0xf8: {  	[sflag:s15] =	ssyncset.done $0x0  }
0xf9: {  	s0 =	rddreg [dreg:$0x5];
	[sflag:s15] =	ssyncadd.s32 $0xFFFF8000  }
0xfa: {  	[hbm4b:s0+s2] =	stream.linear.scatter [tilespmem:s2], [sflag:$0x3], $0x8000, $0x38;
	[tilespmem:$0x10000] =	vst v63  }
0xfb: {  	s1 =	rddreg [dreg:$0x6]  }
0xfc: {  	[hbm4b:s1+s2] =	stream.linear.scatter [tilespmem:s2], [sflag:$0x5], $0x8000, $0x38;
	[tilespmem:$0x10000] =	vst v63  }
0xfd: {  	_ = 	snop  }
0xfe: {  	[tilespmem:s10], [sflag:$0x2] =	stream.linear.gather [hbm4b:s31+s2], $0x8000, $0x38;
	[tilespmem:$0x10000] =	vst v63  }
0xff: {  	_ =	swait.ge [sflag:s13], $0x8000  }
0x100: {  	[sflag:s13] =	ssyncset.done $0x0  }
0x101: {  	[sflag:s13] =	ssyncadd.s32 $0xFFFF8000  }
0x102: {  	[hbm4b:s29+s2] =	stream.linear.scatter [tilespmem:s10], [sflag:$0x4], $0x8000, $0x38;
	[tilespmem:$0x10000] =	vst v63  }
0x103: {  	_ = 	snop  }
0x104: {  	[hbm4b:s30+s2] =	stream.linear.scatter [tilespmem:s10], [sflag:$0x6], $0x8000, $0x38;
	[tilespmem:$0x10000] =	vst v63  }
0x105: {  	_ =	swait.ge [sflag:s9], $0x8000  }
0x106: {  	[sflag:s9] =	ssyncset.done $0x0  }
0x107: {  	[sflag:s9] =	ssyncadd.s32 $0xFFFF8000  }
0x108: {  	_ =	swait.ge [sflag:s8], $0x8000  }
0x109: {  	[sflag:s8] =	ssyncset.done $0x0  }
0x10a: {  	[sflag:s8] =	ssyncadd.s32 $0xFFFF8000  }
0x10b: {  	[tilespmem:s2], [sflag:$0x1] =	stream.linear.gather [hbm4b:s28+s2], $0x8000, $0x38;
	[tilespmem:$0x10000] =	vst v63  }
0x10c: {  	_ =	swait.ge [sflag:s15], $0x8000  }
0x10d: {  	[sflag:s15] =	ssyncset.done $0x0  }
0x10e: {  	[sflag:s15] =	ssyncadd.s32 $0xFFFF8000  }
0x10f: {  	[hbm4b:s25+s2] =	stream.linear.scatter [tilespmem:s2], [sflag:$0x3], $0x8000, $0x38;
	[tilespmem:$0x10000] =	vst v63  }
0x110: {  	_ = 	snop  }
0x111: {  	[hbm4b:s26+s2] =	stream.linear.scatter [tilespmem:s2], [sflag:$0x5], $0x8000, $0x38;
	[tilespmem:$0x10000] =	vst v63  }
0x112: {  	_ =	swait.ge [sflag:s6], $0x8000  }
0x113: {  	[sflag:s6] =	ssyncset.done $0x0  }
0x114: {  	[sflag:s6] =	ssyncadd.s32 $0xFFFF8000  }
0x115: {  	_ =	swait.ge [sflag:s3], $0x8000  }
0x116: {  	[sflag:s3] =	ssyncset.done $0x0  }
0x117: {  	[sflag:s3] =	ssyncadd.s32 $0xFFFF8000  }
0x118: {  	[tilespmem:s10], [sflag:$0x2] =	stream.linear.gather [hbm4b:s24+s2], $0x8000, $0x38;
	[tilespmem:$0x10000] =	vst v63  }
0x119: {  	_ =	swait.ge [sflag:s13], $0x8000  }
0x11a: {  	[sflag:s13] =	ssyncset.done $0x0  }
0x11b: {  	[sflag:s13] =	ssyncadd.s32 $0xFFFF8000  }
0x11c: {  	[hbm4b:s22+s2] =	stream.linear.scatter [tilespmem:s10], [sflag:$0x4], $0x8000, $0x38;
	[tilespmem:$0x10000] =	vst v63  }
0x11d: {  	_ = 	snop  }
0x11e: {  	[hbm4b:s23+s2] =	stream.linear.scatter [tilespmem:s10], [sflag:$0x6], $0x8000, $0x38;
	[tilespmem:$0x10000] =	vst v63  }
0x11f: {  	_ =	swait.ge [sflag:s9], $0x8000  }
0x120: {  	[sflag:s9] =	ssyncset.done $0x0  }
0x121: {  	[sflag:s9] =	ssyncadd.s32 $0xFFFF8000  }
0x122: {  	_ =	swait.ge [sflag:s8], $0x8000  }
0x123: {  	[sflag:s8] =	ssyncset.done $0x0  }
0x124: {  	[sflag:s8] =	ssyncadd.s32 $0xFFFF8000  }
0x125: {  	[tilespmem:s2], [sflag:$0x1] =	stream.linear.gather [hbm4b:s21+s2], $0x8000, $0x38;
	[tilespmem:$0x10000] =	vst v63  }
0x126: {  	_ =	swait.ge [sflag:s15], $0x8000  }
0x127: {  	[sflag:s15] =	ssyncset.done $0x0  }
0x128: {  	[sflag:s15] =	ssyncadd.s32 $0xFFFF8000  }
0x129: {  	[hbm4b:s19+s2] =	stream.linear.scatter [tilespmem:s2], [sflag:$0x3], $0x8000, $0x38;
	[tilespmem:$0x10000] =	vst v63  }
0x12a: {  	_ = 	snop  }
0x12b: {  	[hbm4b:s20+s2] =	stream.linear.scatter [tilespmem:s2], [sflag:$0x5], $0x8000, $0x38;
	[tilespmem:$0x10000] =	vst v63  }
0x12c: {  	_ =	swait.ge [sflag:s6], $0x8000  }
0x12d: {  	[sflag:s6] =	ssyncset.done $0x0  }
0x12e: {  	[sflag:s6] =	ssyncadd.s32 $0xFFFF8000  }
0x12f: {  	_ =	swait.ge [sflag:s3], $0x8000  }
0x130: {  	[sflag:s3] =	ssyncset.done $0x0  }
0x131: {  	[sflag:s3] =	ssyncadd.s32 $0xFFFF8000  }
0x132: {  	[tilespmem:s10], [sflag:$0x2] =	stream.linear.gather [hbm4b:s18+s2], $0x8000, $0x38;
	[tilespmem:$0x10000] =	vst v63  }
0x133: {  	_ =	swait.ge [sflag:s13], $0x8000  }
0x134: {  	[sflag:s13] =	ssyncset.done $0x0  }
0x135: {  	[sflag:s13] =	ssyncadd.s32 $0xFFFF8000  }
0x136: {  	[hbm4b:s16+s2] =	stream.linear.scatter [tilespmem:s10], [sflag:$0x4], $0x8000, $0x38;
	[tilespmem:$0x10000] =	vst v63  }
0x137: {  	_ = 	snop  }
0x138: {  	[hbm4b:s17+s2] =	stream.linear.scatter [tilespmem:s10], [sflag:$0x6], $0x8000, $0x38;
	[tilespmem:$0x10000] =	vst v63  }
0x139: {  	_ =	swait.ge [sflag:s9], $0x8000  }
0x13a: {  	[sflag:s9] =	ssyncset.done $0x0  }
0x13b: {  	[sflag:s9] =	ssyncadd.s32 $0xFFFF8000  }
0x13c: {  	_ =	swait.ge [sflag:s8], $0x8000  }
0x13d: {  	[sflag:s8] =	ssyncset.done $0x0  }
0x13e: {  	[sflag:s8] =	ssyncadd.s32 $0xFFFF8000  }
0x13f: {  	[tilespmem:s2], [sflag:$0x1] =	stream.linear.gather [hbm4b:s14+s2], $0x8000, $0x38;
	[tilespmem:$0x10000] =	vst v63  }
0x140: {  	_ =	swait.ge [sflag:s15], $0x8000  }
0x141: {  	[sflag:s15] =	ssyncset.done $0x0  }
0x142: {  	[sflag:s15] =	ssyncadd.s32 $0xFFFF8000  }
0x143: {  	[hbm4b:s11+s2] =	stream.linear.scatter [tilespmem:s2], [sflag:$0x3], $0x8000, $0x38;
	[tilespmem:$0x10000] =	vst v63  }
0x144: {  	_ = 	snop  }
0x145: {  	[hbm4b:s12+s2] =	stream.linear.scatter [tilespmem:s2], [sflag:$0x5], $0x8000, $0x38;
	[tilespmem:$0x10000] =	vst v63  }
0x146: {  	_ =	swait.ge [sflag:s6], $0x8000  }
0x147: {  	[sflag:s6] =	ssyncset.done $0x0  }
0x148: {  	[sflag:s6] =	ssyncadd.s32 $0xFFFF8000  }
0x149: {  	_ =	swait.ge [sflag:s3], $0x8000  }
0x14a: {  	[sflag:s3] =	ssyncset.done $0x0  }
0x14b: {  	[sflag:s3] =	ssyncadd.s32 $0xFFFF8000  }
0x14c: {  	[tilespmem:s10], [sflag:$0x2] =	stream.linear.gather [hbm4b:s7+s2], $0x8000, $0x38;
	[tilespmem:$0x10000] =	vst v63  }
0x14d: {  	_ =	swait.ge [sflag:s13], $0x8000  }
0x14e: {  	[sflag:s13] =	ssyncset.done $0x0  }
0x14f: {  	[sflag:s13] =	ssyncadd.s32 $0xFFFF8000  }
0x150: {  	[hbm4b:s4+s2] =	stream.linear.scatter [tilespmem:s10], [sflag:$0x4], $0x8000, $0x38;
	[tilespmem:$0x10000] =	vst v63  }
0x151: {  	_ = 	snop  }
0x152: {  	[hbm4b:s5+s2] =	stream.linear.scatter [tilespmem:s10], [sflag:$0x6], $0x8000, $0x38;
	[tilespmem:$0x10000] =	vst v63  }
0x153: {  	_ =	swait.ge [sflag:s9], $0x8000  }
0x154: {  	[sflag:s9] =	ssyncset.done $0x0  }
0x155: {  	[sflag:s9] =	ssyncadd.s32 $0xFFFF8000  }
0x156: {  	_ =	swait.ge [sflag:s8], $0x8000  }
0x157: {  	[sflag:s8] =	ssyncset.done $0x0  }
0x158: {  	[sflag:s8] =	ssyncadd.s32 $0xFFFF8000  }
0x159: {  	_ =	swait.ge [sflag:s6], $0x8000  }
0x15a: {  	[sflag:s6] =	ssyncset.done $0x0  }
0x15b: {  	[sflag:s6] =	ssyncadd.s32 $0xFFFF8000  }
0x15c: {  	_ =	swait.ge [sflag:s3], $0x8000  }
0x15d: {  	[sflag:s3] =	ssyncset.done $0x0  }
0x15e: {  	[sflag:s3] =	ssyncadd.s32 $0xFFFF8000  }
0x15f: {  	_ =	sfence.sel $0x180000  }
0x160: {  	[bflag:$0x0] =	sbarrier.arrive $0xFFFF  }
0x161: {  	_ =	strace $0x90000047  }
0x162: {  	s31 =	stileid.u32;
	[bflag:$0x2] =	sbarrier.arrive $0xFFFF  }
0x163: {  	p0 =	sne.s32 s31, $0x0;
	s0 =	rddreg [dreg:$0x3]  }
0x164: {  	s0 =	sadd.s32 @!p0 $0x100000, s0  }
0x165: {  	[sflag:s0] =	ssyncadd.tile.s32 @!p0 $0x1;
	_ =	shalt  }
.Lfunc_end2:
_tile_overlayer_lowered:
.L_overlay_start_2:
0x166: {  	(tag) =	ssettag $0x2  }
0x167: {  	s0 =	rddreg [dreg:$0x0];
	s2 =	stileid.u32  }
0x168: {  	s1 =	rddreg [dreg:$0x1];
	p0 =	sne.s32 s2, $0x0  }
0x169: {  	s3 =	rddreg [dreg:$0x2];
	[bflag:$0x3] =	sbarrier.arrive $0xFFFF;
	s2 =	simm.s32 @!p0 $0x1C07  }
0x16a: {  	[timem:s3], [sflag:s2] =	dma.local @!p0 [hbm:s0], s1  }
0x16b: {  	s0 =	simm.s32 @!p0 $0x7  }
0x16c: {  	_ =	swait.ge @!p0 [sflag:s0], s1  }
0x16d: {  	s1 =	ssub.s32 @!p0 $0x0, s1;
	[sflag:s0] =	ssyncset.done @!p0 $0x0  }
0x16e: {  	[sflag:s0] =	ssyncadd.s32 @!p0 s1  }
0x16f: {  	[bflag:$0x3] =	sbarrier.arrive $0xFFFF  }
0x170: {  	_ =	shalt  }

</sc_bundles>
